<compile_context>
chip_gen: v7x
topology: tpu7x:2x2x1
jax: 0.10.2.dev20260603
libtpu: 0.0.44.dev20260713+nightly
codegen_flags: <defaults>
</compile_context>

<pallas_src>
import functools

import jax
import jax.numpy as jnp
from jax import lax
from jax.experimental import pallas as pl
from jax.experimental.pallas import tpu as pltpu
from jax.experimental.pallas import tpu_sc as plsc

_PAD = 1024
_VOCAB = 1025
_LANES = 16
_D = 1024

_NC = 2
_NS = 16
_NW = _NC * _NS

_CHUNK = 4
_NBUF = 2


def _sc_body(comb_hbm, idx_hbm, pos_hbm, out_hbm, idx_v,
             rows0, rows1, pos0, pos1, outv0, outv1,
             sr0, sr1, sp0, sp1, ss0, ss1):
    n_rows, d = out_hbm.shape
    t_len = pos_hbm.shape[0]
    k = rows0.shape[0] // _CHUNK
    g = _CHUNK * k
    rows_per_w = n_rows // _NW
    steps = rows_per_w // _CHUNK
    wid = lax.axis_index("s") * _NC + lax.axis_index("c")

    rows = (rows0, rows1)
    pos = (pos0, pos1)
    outv = (outv0, outv1)
    sem_r = (sr0, sr1)
    sem_p = (sp0, sp1)
    sem_s = (ss0, ss1)

    pltpu.sync_copy(idx_hbm.at[pl.ds(wid * rows_per_w * k, rows_per_w * k)],
                    idx_v)

    def fire(c, b):
        pltpu.async_copy(comb_hbm.at[idx_v.at[pl.ds(c * g, g)]],
                         rows[b], sem_r[b])
        base = wid * rows_per_w + c * _CHUNK
        t0 = lax.rem(base, t_len)
        pltpu.async_copy(pos_hbm.at[pl.ds(t0, _CHUNK)], pos[b], sem_p[b])

    def wait_fired(b):
        pltpu.make_async_copy(comb_hbm.at[idx_v.at[pl.ds(0, g)]],
                              rows[b], sem_r[b]).wait()
        pltpu.make_async_copy(pos_hbm.at[pl.ds(0, _CHUNK)],
                              pos[b], sem_p[b]).wait()

    def wait_store(b):
        pltpu.make_async_copy(outv[b], out_hbm.at[pl.ds(0, _CHUNK)],
                              sem_s[b]).wait()

    def accumulate(b):
        def col(j, carry):
            off = j * _LANES
            for r in range(_CHUNK):
                acc = pos[b][r, pl.ds(off, _LANES)]
                for kk in range(k):
                    acc = acc + rows[b][r * k + kk, pl.ds(off, _LANES)]
                outv[b][r, pl.ds(off, _LANES)] = acc
            return carry

        lax.fori_loop(0, d // _LANES, col, 0)

    for b in range(_NBUF):
        fire(b, b)

    def ring(i, carry):
        for b in range(_NBUF):
            c = _NBUF * i + b
            pl.when(i >= 1)(lambda b=b: wait_store(b))
            wait_fired(b)
            accumulate(b)
            base = wid * rows_per_w + c * _CHUNK
            pltpu.async_copy(outv[b], out_hbm.at[pl.ds(base, _CHUNK)],
                             sem_s[b])
            pl.when(c + _NBUF < steps)(lambda c=c, b=b: fire(c + _NBUF, b))
        return carry

    lax.fori_loop(0, steps // _NBUF, ring, 0)
    for b in range(_NBUF):
        wait_store(b)


def kernel(codes, tables, pos_emb):
    B, K, T = codes.shape
    d = tables.shape[-1]
    n = B * T

    flat = tables.reshape(K * _VOCAB, d)
    zero_base = K * _VOCAB
    comb = jnp.concatenate([flat, jnp.zeros((8, d), jnp.float32)], axis=0)

    codes_t = codes.transpose(0, 2, 1).reshape(n, K)
    k_ar = jnp.arange(K, dtype=jnp.int32)[None, :]
    idx = jnp.where(codes_t == _PAD, zero_base + k_ar,
                    codes_t + k_ar * _VOCAB)
    idx = idx.reshape(n * K).astype(jnp.int32)

    mesh = plsc.VectorSubcoreMesh(core_axis_name="c", subcore_axis_name="s")
    rows_per_w = n // _NW
    fn = functools.partial(
        pl.kernel,
        mesh=mesh,
        out_type=jax.ShapeDtypeStruct((n, d), jnp.float32),
        scratch_types=(
            [pltpu.VMEM((rows_per_w * K,), jnp.int32)]
            + [pltpu.VMEM((_CHUNK * K, d), jnp.float32)] * _NBUF
            + [pltpu.VMEM((_CHUNK, d), jnp.float32)] * _NBUF
            + [pltpu.VMEM((_CHUNK, d), jnp.float32)] * _NBUF
            + [pltpu.SemaphoreType.DMA] * (3 * _NBUF)
        ),
    )(_sc_body)
    out = fn(comb, idx, pos_emb[:T])
    return out.reshape(B, T, d)

# --- scband reference (transcript-rebuilt; emitter-appended) ---
"""Pipeline reference for scband-rvqembedding-31215822307427 (READ-ONLY COPY).

The authoritative reference and input builder live on the scoring server;
editing this copy changes nothing except your own understanding.
"""

import jax, jax.numpy as jnp
import numpy as np

PAD = 1024

def setup_inputs(seed: int = 0) -> dict:
    key = jax.random.key(seed)
    K, vocab, d, max_pos = 8, 1025, 1024, 8192
    B, T = 8, 2048
    k1, k2, k3 = jax.random.split(key, 3)
    codes = jax.random.randint(k1, (B, K, T), 0, vocab, dtype=jnp.int32)
    tables = 0.02 * jax.random.normal(k2, (K, vocab, d), dtype=jnp.float32)
    pos_emb = 0.02 * jax.random.normal(k3, (max_pos, d), dtype=jnp.float32)
    return {"codes": codes, "tables": tables, "pos_emb": pos_emb}

def reference(codes, tables, pos_emb):
    # codes: (B, K, T) int; tables: (K, vocab, d); pos_emb: (max_pos, d)
    B, K, T = codes.shape
    d = tables.shape[-1]
    # emulate padding_idx: pad row contributes zeros
    tables_eff = tables.at[:, PAD, :].set(0.0)
    x = jnp.zeros((B, T, d), dtype=jnp.float32)
    for k in range(K):
        x = x + jnp.take(tables_eff[k], codes[:, k, :], axis=0)
    positions = jnp.arange(T)
    x = x + jnp.take(pos_emb, positions, axis=0)[None, :, :]
    return x

if __name__ == "__main__":
    import jax
    _d = setup_inputs()
    print(jax.jit(kernel)(*tuple(_d.values())))

</pallas_src>

<mosaic_0001>
#map = affine_map<(d0, d1) -> (0, 0)>
#map1 = affine_map<(d0, d1) -> (0)>
module attributes {stable_mosaic.version = 14 : i64} {
  func.func @_sc_body(%arg0: i32, %arg1: i32, %arg2: memref<8208x1024xf32, #tpu.memory_space<hbm>>, %arg3: memref<131072xi32, #tpu.memory_space<hbm>>, %arg4: memref<2048x1024xf32, #tpu.memory_space<hbm>>, %arg5: memref<16384x1024xf32, #tpu.memory_space<hbm>>, %arg6: memref<4096xi32, #tpu.memory_space<vmem>>, %arg7: memref<32x1024xf32, #tpu.memory_space<vmem>>, %arg8: memref<32x1024xf32, #tpu.memory_space<vmem>>, %arg9: memref<4x1024xf32, #tpu.memory_space<vmem>>, %arg10: memref<4x1024xf32, #tpu.memory_space<vmem>>, %arg11: memref<4x1024xf32, #tpu.memory_space<vmem>>, %arg12: memref<4x1024xf32, #tpu.memory_space<vmem>>, %arg13: memref<!tpu.dma_semaphore, #tpu.memory_space<semaphore_mem>>, %arg14: memref<!tpu.dma_semaphore, #tpu.memory_space<semaphore_mem>>, %arg15: memref<!tpu.dma_semaphore, #tpu.memory_space<semaphore_mem>>, %arg16: memref<!tpu.dma_semaphore, #tpu.memory_space<semaphore_mem>>, %arg17: memref<!tpu.dma_semaphore, #tpu.memory_space<semaphore_mem>>, %arg18: memref<!tpu.dma_semaphore, #tpu.memory_space<semaphore_mem>>) attributes {dimension_semantics = [#tpu.dimension_semantics<core_parallel>, #tpu.dimension_semantics<subcore_parallel>], iteration_bounds = array<i64: 2, 16>, scalar_prefetch = 0 : i64, scratch_operands = 13 : i64, tpu.core_type = #tpu.core_type<sc_vector_subcore>, window_params = [{transform_indices = #map}, {transform_indices = #map1}, {transform_indices = #map}, {transform_indices = #map}]} {
    %mul3A = arith.constant 2 : i32
    %mul3A_0 = arith.muli %arg1, %mul3A : i32
    %add3A = arith.addi %mul3A_0, %arg0 : i32
    %mul3A_1 = arith.constant 512 : i32
    %mul3A_2 = arith.muli %add3A, %mul3A_1 : i32
    %mul3A_3 = arith.constant 8 : i32
    %mul3A_4 = arith.muli %mul3A_2, %mul3A_3 : i32
    "tpu.region"() ({
      %run_scoped3A = tpu.sem_alloc : memref<!tpu.dma_semaphore, #tpu.memory_space<semaphore_mem>>
      %dma_start3A_49 = tpu.memref_slice %arg3[%mul3A_4] : memref<131072xi32, #tpu.memory_space<hbm>> -> memref<4096xi32, #tpu.memory_space<hbm>>
      %dma_start3A_50 = tpu.memref_slice %arg3[%mul3A_4] : memref<131072xi32, #tpu.memory_space<hbm>> -> memref<4096xi32, #tpu.memory_space<hbm>>
      tpu.enqueue_dma source(%dma_start3A_50 : memref<4096xi32, #tpu.memory_space<hbm>>) target(%arg6 : memref<4096xi32, #tpu.memory_space<vmem>>) target_semaphore(%run_scoped3A : memref<!tpu.dma_semaphore, #tpu.memory_space<semaphore_mem>>)
      %dma_wait3A_51 = tpu.memref_slice %arg3[%mul3A_4] : memref<131072xi32, #tpu.memory_space<hbm>> -> memref<4096xi32, #tpu.memory_space<hbm>>
      %dma_wait3A_52 = tpu.memref_slice %arg3[%mul3A_4] : memref<131072xi32, #tpu.memory_space<hbm>> -> memref<4096xi32, #tpu.memory_space<hbm>>
      tpu.wait_dma2 semaphore(%run_scoped3A : memref<!tpu.dma_semaphore, #tpu.memory_space<semaphore_mem>>) src(%dma_wait3A_52 : memref<4096xi32, #tpu.memory_space<hbm>>) dst(%arg6 : memref<4096xi32, #tpu.memory_space<vmem>>)
      tpu.yield
    }) : () -> ()
    %dma_start3A = arith.constant 0 : i32
    %dma_start3A_5 = tpu.memref_slice %arg6[%dma_start3A] : memref<4096xi32, #tpu.memory_space<vmem>> -> memref<32xi32, #tpu.memory_space<vmem>>
    %dma_start3A_6 = arith.constant 0 : i32
    %dma_start3A_7 = arith.constant 0 : i32
    %dma_start3A_8 = tpu.memref_slice %arg2[%dma_start3A_6, %dma_start3A_7] : memref<8208x1024xf32, #tpu.memory_space<hbm>> -> memref<8208x1024xf32, #tpu.memory_space<hbm>>
    tpu.enqueue_indirect_dma source(%dma_start3A_8 : memref<8208x1024xf32, #tpu.memory_space<hbm>>) target(%arg7 : memref<32x1024xf32, #tpu.memory_space<vmem>>) offsets(%dma_start3A_5 : memref<32xi32, #tpu.memory_space<vmem>>) semaphore(%arg13 : memref<!tpu.dma_semaphore, #tpu.memory_space<semaphore_mem>>)
    %mul3A_9 = arith.constant 512 : i32
    %mul3A_10 = arith.muli %add3A, %mul3A_9 : i32
    %add3A_11 = arith.constant 0 : i32
    %add3A_12 = arith.addi %mul3A_10, %add3A_11 : i32
    %rem3A = arith.constant 2048 : i32
    %rem3A_13 = arith.remsi %add3A_12, %rem3A : i32
    %dma_start3A_14 = arith.constant 0 : i32
    %dma_start3A_15 = tpu.memref_slice %arg4[%rem3A_13, %dma_start3A_14] : memref<2048x1024xf32, #tpu.memory_space<hbm>> -> memref<4x1024xf32, #tpu.memory_space<hbm>>
    %dma_start3A_16 = arith.constant 0 : i32
    %dma_start3A_17 = tpu.memref_slice %arg4[%rem3A_13, %dma_start3A_16] : memref<2048x1024xf32, #tpu.memory_space<hbm>> -> memref<4x1024xf32, #tpu.memory_space<hbm>>
    tpu.enqueue_dma source(%dma_start3A_17 : memref<4x1024xf32, #tpu.memory_space<hbm>>) target(%arg9 : memref<4x1024xf32, #tpu.memory_space<vmem>>) target_semaphore(%arg15 : memref<!tpu.dma_semaphore, #tpu.memory_space<semaphore_mem>>)
    %dma_start3A_18 = arith.constant 32 : i32
    %dma_start3A_19 = tpu.memref_slice %arg6[%dma_start3A_18] : memref<4096xi32, #tpu.memory_space<vmem>> -> memref<32xi32, #tpu.memory_space<vmem>>
    %dma_start3A_20 = arith.constant 0 : i32
    %dma_start3A_21 = arith.constant 0 : i32
    %dma_start3A_22 = tpu.memref_slice %arg2[%dma_start3A_20, %dma_start3A_21] : memref<8208x1024xf32, #tpu.memory_space<hbm>> -> memref<8208x1024xf32, #tpu.memory_space<hbm>>
    tpu.enqueue_indirect_dma source(%dma_start3A_22 : memref<8208x1024xf32, #tpu.memory_space<hbm>>) target(%arg8 : memref<32x1024xf32, #tpu.memory_space<vmem>>) offsets(%dma_start3A_19 : memref<32xi32, #tpu.memory_space<vmem>>) semaphore(%arg14 : memref<!tpu.dma_semaphore, #tpu.memory_space<semaphore_mem>>)
    %mul3A_23 = arith.constant 512 : i32
    %mul3A_24 = arith.muli %add3A, %mul3A_23 : i32
    %add3A_25 = arith.constant 4 : i32
    %add3A_26 = arith.addi %mul3A_24, %add3A_25 : i32
    %rem3A_27 = arith.constant 2048 : i32
    %rem3A_28 = arith.remsi %add3A_26, %rem3A_27 : i32
    %dma_start3A_29 = arith.constant 0 : i32
    %dma_start3A_30 = tpu.memref_slice %arg4[%rem3A_28, %dma_start3A_29] : memref<2048x1024xf32, #tpu.memory_space<hbm>> -> memref<4x1024xf32, #tpu.memory_space<hbm>>
    %dma_start3A_31 = arith.constant 0 : i32
    %dma_start3A_32 = tpu.memref_slice %arg4[%rem3A_28, %dma_start3A_31] : memref<2048x1024xf32, #tpu.memory_space<hbm>> -> memref<4x1024xf32, #tpu.memory_space<hbm>>
    tpu.enqueue_dma source(%dma_start3A_32 : memref<4x1024xf32, #tpu.memory_space<hbm>>) target(%arg10 : memref<4x1024xf32, #tpu.memory_space<vmem>>) target_semaphore(%arg16 : memref<!tpu.dma_semaphore, #tpu.memory_space<semaphore_mem>>)
    %scan3A = arith.constant 0 : i32
    %scan3A_33 = arith.constant 0 : i32
    %scan3A_34 = arith.constant 64 : i32
    %scan3A_35 = arith.addi %scan3A_33, %scan3A_34 : i32
    %scan3A_36 = arith.constant 1 : i32
    scf.for %scan3A_49 = %scan3A_33 to %scan3A_35 step %scan3A_36  : i32 {
      %mul3A_50 = arith.constant 2 : i32
      %mul3A_51 = arith.muli %mul3A_50, %scan3A_49 : i32
      %add3A_52 = arith.constant 0 : i32
      %add3A_53 = arith.addi %mul3A_51, %add3A_52 : i32
      %ge3A = arith.constant 1 : i32
      %ge3A_54 = arith.cmpi sge, %scan3A_49, %ge3A : i32
      %convert_element_type3A = arith.extui %ge3A_54 : i1 to i32
      %cond3A = arith.constant 0 : i32
      %cond3A_55 = arith.cmpi ne, %convert_element_type3A, %cond3A : i32
      scf.if %cond3A_55 {
        %dma_wait3A_130 = arith.constant 0 : i32
        %dma_wait3A_131 = arith.constant 0 : i32
        %dma_wait3A_132 = tpu.memref_slice %arg5[%dma_wait3A_130, %dma_wait3A_131] : memref<16384x1024xf32, #tpu.memory_space<hbm>> -> memref<4x1024xf32, #tpu.memory_space<hbm>>
        %dma_wait3A_133 = arith.constant 0 : i32
        %dma_wait3A_134 = arith.constant 0 : i32
        %dma_wait3A_135 = tpu.memref_slice %arg5[%dma_wait3A_133, %dma_wait3A_134] : memref<16384x1024xf32, #tpu.memory_space<hbm>> -> memref<4x1024xf32, #tpu.memory_space<hbm>>
        tpu.wait_dma2 semaphore(%arg17 : memref<!tpu.dma_semaphore, #tpu.memory_space<semaphore_mem>>) src(%arg11 : memref<4x1024xf32, #tpu.memory_space<vmem>>) dst(%dma_wait3A_135 : memref<4x1024xf32, #tpu.memory_space<hbm>>)
      } else {
      }
      %dma_wait3A_56 = arith.constant 0 : i32
      %dma_wait3A_57 = tpu.memref_slice %arg6[%dma_wait3A_56] : memref<4096xi32, #tpu.memory_space<vmem>> -> memref<32xi32, #tpu.memory_space<vmem>>
      %dma_wait3A_58 = arith.constant 0 : i32
      %dma_wait3A_59 = arith.constant 0 : i32
      %dma_wait3A_60 = tpu.memref_slice %arg2[%dma_wait3A_58, %dma_wait3A_59] : memref<8208x1024xf32, #tpu.memory_space<hbm>> -> memref<8208x1024xf32, #tpu.memory_space<hbm>>
      tpu.wait_indirect_dma semaphore(%arg13 : memref<!tpu.dma_semaphore, #tpu.memory_space<semaphore_mem>>) src(%dma_wait3A_60 : memref<8208x1024xf32, #tpu.memory_space<hbm>>) dst(%arg7 : memref<32x1024xf32, #tpu.memory_space<vmem>>)
      %dma_wait3A_61 = arith.constant 0 : i32
      %dma_wait3A_62 = arith.constant 0 : i32
      %dma_wait3A_63 = tpu.memref_slice %arg4[%dma_wait3A_61, %dma_wait3A_62] : memref<2048x1024xf32, #tpu.memory_space<hbm>> -> memref<4x1024xf32, #tpu.memory_space<hbm>>
      %dma_wait3A_64 = arith.constant 0 : i32
      %dma_wait3A_65 = arith.constant 0 : i32
      %dma_wait3A_66 = tpu.memref_slice %arg4[%dma_wait3A_64, %dma_wait3A_65] : memref<2048x1024xf32, #tpu.memory_space<hbm>> -> memref<4x1024xf32, #tpu.memory_space<hbm>>
      tpu.wait_dma2 semaphore(%arg15 : memref<!tpu.dma_semaphore, #tpu.memory_space<semaphore_mem>>) src(%dma_wait3A_66 : memref<4x1024xf32, #tpu.memory_space<hbm>>) dst(%arg9 : memref<4x1024xf32, #tpu.memory_space<vmem>>)
      %scan3A_67 = arith.constant 0 : i32
      %scan3A_68 = arith.constant 0 : i32
      %scan3A_69 = arith.constant 64 : i32
      %scan3A_70 = arith.addi %scan3A_68, %scan3A_69 : i32
      %scan3A_71 = arith.constant 1 : i32
      scf.for %scan3A_130 = %scan3A_68 to %scan3A_70 step %scan3A_71  : i32 {
        %mul3A_131 = arith.constant 16 : i32
        %mul3A_132 = arith.muli %scan3A_130, %mul3A_131 : i32
        %get3A = arith.constant 0 : i32
        %get3A_133 = arith.index_cast %get3A : i32 to index
        %get3A_134 = arith.index_cast %mul3A_132 : i32 to index
        %get3A_135 = tpu.vector_load %arg9[%get3A_133, %get3A_134] {strides = array<i32>} : memref<4x1024xf32, #tpu.memory_space<vmem>>, vector<1x16xf32>,
        %get3A_136 = vector.shape_cast %get3A_135 : vector<1x16xf32> to vector<16xf32>
        %get3A_137 = arith.constant 0 : i32
        %get3A_138 = arith.index_cast %get3A_137 : i32 to index
        %get3A_139 = arith.index_cast %mul3A_132 : i32 to index
        %get3A_140 = tpu.vector_load %arg7[%get3A_138, %get3A_139] {strides = array<i32>} : memref<32x1024xf32, #tpu.memory_space<vmem>>, vector<1x16xf32>,
        %get3A_141 = vector.shape_cast %get3A_140 : vector<1x16xf32> to vector<16xf32>
        %add3A_142 = arith.addf %get3A_136, %get3A_141 : vector<16xf32>
        %get3A_143 = arith.constant 1 : i32
        %get3A_144 = arith.index_cast %get3A_143 : i32 to index
        %get3A_145 = arith.index_cast %mul3A_132 : i32 to index
        %get3A_146 = tpu.vector_load %arg7[%get3A_144, %get3A_145] {strides = array<i32>} : memref<32x1024xf32, #tpu.memory_space<vmem>>, vector<1x16xf32>,
        %get3A_147 = vector.shape_cast %get3A_146 : vector<1x16xf32> to vector<16xf32>
        %add3A_148 = arith.addf %add3A_142, %get3A_147 : vector<16xf32>
        %get3A_149 = arith.constant 2 : i32
        %get3A_150 = arith.index_cast %get3A_149 : i32 to index
        %get3A_151 = arith.index_cast %mul3A_132 : i32 to index
        %get3A_152 = tpu.vector_load %arg7[%get3A_150, %get3A_151] {strides = array<i32>} : memref<32x1024xf32, #tpu.memory_space<vmem>>, vector<1x16xf32>,
        %get3A_153 = vector.shape_cast %get3A_152 : vector<1x16xf32> to vector<16xf32>
        %add3A_154 = arith.addf %add3A_148, %get3A_153 : vector<16xf32>
        %get3A_155 = arith.constant 3 : i32
        %get3A_156 = arith.index_cast %get3A_155 : i32 to index
        %get3A_157 = arith.index_cast %mul3A_132 : i32 to index
        %get3A_158 = tpu.vector_load %arg7[%get3A_156, %get3A_157] {strides = array<i32>} : memref<32x1024xf32, #tpu.memory_space<vmem>>, vector<1x16xf32>,
        %get3A_159 = vector.shape_cast %get3A_158 : vector<1x16xf32> to vector<16xf32>
        %add3A_160 = arith.addf %add3A_154, %get3A_159 : vector<16xf32>
        %get3A_161 = arith.constant 4 : i32
        %get3A_162 = arith.index_cast %get3A_161 : i32 to index
        %get3A_163 = arith.index_cast %mul3A_132 : i32 to index
        %get3A_164 = tpu.vector_load %arg7[%get3A_162, %get3A_163] {strides = array<i32>} : memref<32x1024xf32, #tpu.memory_space<vmem>>, vector<1x16xf32>,
        %get3A_165 = vector.shape_cast %get3A_164 : vector<1x16xf32> to vector<16xf32>
        %add3A_166 = arith.addf %add3A_160, %get3A_165 : vector<16xf32>
        %get3A_167 = arith.constant 5 : i32
        %get3A_168 = arith.index_cast %get3A_167 : i32 to index
        %get3A_169 = arith.index_cast %mul3A_132 : i32 to index
        %get3A_170 = tpu.vector_load %arg7[%get3A_168, %get3A_169] {strides = array<i32>} : memref<32x1024xf32, #tpu.memory_space<vmem>>, vector<1x16xf32>,
        %get3A_171 = vector.shape_cast %get3A_170 : vector<1x16xf32> to vector<16xf32>
        %add3A_172 = arith.addf %add3A_166, %get3A_171 : vector<16xf32>
        %get3A_173 = arith.constant 6 : i32
        %get3A_174 = arith.index_cast %get3A_173 : i32 to index
        %get3A_175 = arith.index_cast %mul3A_132 : i32 to index
        %get3A_176 = tpu.vector_load %arg7[%get3A_174, %get3A_175] {strides = array<i32>} : memref<32x1024xf32, #tpu.memory_space<vmem>>, vector<1x16xf32>,
        %get3A_177 = vector.shape_cast %get3A_176 : vector<1x16xf32> to vector<16xf32>
        %add3A_178 = arith.addf %add3A_172, %get3A_177 : vector<16xf32>
        %get3A_179 = arith.constant 7 : i32
        %get3A_180 = arith.index_cast %get3A_179 : i32 to index
        %get3A_181 = arith.index_cast %mul3A_132 : i32 to index
        %get3A_182 = tpu.vector_load %arg7[%get3A_180, %get3A_181] {strides = array<i32>} : memref<32x1024xf32, #tpu.memory_space<vmem>>, vector<1x16xf32>,
        %get3A_183 = vector.shape_cast %get3A_182 : vector<1x16xf32> to vector<16xf32>
        %add3A_184 = arith.addf %add3A_178, %get3A_183 : vector<16xf32>
        %swap3A = arith.constant 0 : i32
        %swap3A_185 = arith.index_cast %swap3A : i32 to index
        %swap3A_186 = arith.index_cast %mul3A_132 : i32 to index
        %swap3A_187 = tpu.vector_load %arg11[%swap3A_185, %swap3A_186] {strides = array<i32>} : memref<4x1024xf32, #tpu.memory_space<vmem>>, vector<1x16xf32>,
        %swap3A_188 = vector.shape_cast %swap3A_187 : vector<1x16xf32> to vector<16xf32>
        %swap3A_189 = vector.shape_cast %add3A_184 : vector<16xf32> to vector<1x16xf32>
        tpu.vector_store %arg11[%swap3A_185, %swap3A_186], %swap3A_189 {strides = array<i32>} : memref<4x1024xf32, #tpu.memory_space<vmem>>, vector<1x16xf32>,
        %get3A_190 = arith.constant 1 : i32
        %get3A_191 = arith.index_cast %get3A_190 : i32 to index
        %get3A_192 = arith.index_cast %mul3A_132 : i32 to index
        %get3A_193 = tpu.vector_load %arg9[%get3A_191, %get3A_192] {strides = array<i32>} : memref<4x1024xf32, #tpu.memory_space<vmem>>, vector<1x16xf32>,
        %get3A_194 = vector.shape_cast %get3A_193 : vector<1x16xf32> to vector<16xf32>
        %get3A_195 = arith.constant 8 : i32
        %get3A_196 = arith.index_cast %get3A_195 : i32 to index
        %get3A_197 = arith.index_cast %mul3A_132 : i32 to index
        %get3A_198 = tpu.vector_load %arg7[%get3A_196, %get3A_197] {strides = array<i32>} : memref<32x1024xf32, #tpu.memory_space<vmem>>, vector<1x16xf32>,
        %get3A_199 = vector.shape_cast %get3A_198 : vector<1x16xf32> to vector<16xf32>
        %add3A_200 = arith.addf %get3A_194, %get3A_199 : vector<16xf32>
        %get3A_201 = arith.constant 9 : i32
        %get3A_202 = arith.index_cast %get3A_201 : i32 to index
        %get3A_203 = arith.index_cast %mul3A_132 : i32 to index
        %get3A_204 = tpu.vector_load %arg7[%get3A_202, %get3A_203] {strides = array<i32>} : memref<32x1024xf32, #tpu.memory_space<vmem>>, vector<1x16xf32>,
        %get3A_205 = vector.shape_cast %get3A_204 : vector<1x16xf32> to vector<16xf32>
        %add3A_206 = arith.addf %add3A_200, %get3A_205 : vector<16xf32>
        %get3A_207 = arith.constant 10 : i32
        %get3A_208 = arith.index_cast %get3A_207 : i32 to index
        %get3A_209 = arith.index_cast %mul3A_132 : i32 to index
        %get3A_210 = tpu.vector_load %arg7[%get3A_208, %get3A_209] {strides = array<i32>} : memref<32x1024xf32, #tpu.memory_space<vmem>>, vector<1x16xf32>,
        %get3A_211 = vector.shape_cast %get3A_210 : vector<1x16xf32> to vector<16xf32>
        %add3A_212 = arith.addf %add3A_206, %get3A_211 : vector<16xf32>
        %get3A_213 = arith.constant 11 : i32
        %get3A_214 = arith.index_cast %get3A_213 : i32 to index
        %get3A_215 = arith.index_cast %mul3A_132 : i32 to index
        %get3A_216 = tpu.vector_load %arg7[%get3A_214, %get3A_215] {strides = array<i32>} : memref<32x1024xf32, #tpu.memory_space<vmem>>, vector<1x16xf32>,
        %get3A_217 = vector.shape_cast %get3A_216 : vector<1x16xf32> to vector<16xf32>
        %add3A_218 = arith.addf %add3A_212, %get3A_217 : vector<16xf32>
        %get3A_219 = arith.constant 12 : i32
        %get3A_220 = arith.index_cast %get3A_219 : i32 to index
        %get3A_221 = arith.index_cast %mul3A_132 : i32 to index
        %get3A_222 = tpu.vector_load %arg7[%get3A_220, %get3A_221] {strides = array<i32>} : memref<32x1024xf32, #tpu.memory_space<vmem>>, vector<1x16xf32>,
        %get3A_223 = vector.shape_cast %get3A_222 : vector<1x16xf32> to vector<16xf32>
        %add3A_224 = arith.addf %add3A_218, %get3A_223 : vector<16xf32>
        %get3A_225 = arith.constant 13 : i32
        %get3A_226 = arith.index_cast %get3A_225 : i32 to index
        %get3A_227 = arith.index_cast %mul3A_132 : i32 to index
        %get3A_228 = tpu.vector_load %arg7[%get3A_226, %get3A_227] {strides = array<i32>} : memref<32x1024xf32, #tpu.memory_space<vmem>>, vector<1x16xf32>,
        %get3A_229 = vector.shape_cast %get3A_228 : vector<1x16xf32> to vector<16xf32>
        %add3A_230 = arith.addf %add3A_224, %get3A_229 : vector<16xf32>
        %get3A_231 = arith.constant 14 : i32
        %get3A_232 = arith.index_cast %get3A_231 : i32 to index
        %get3A_233 = arith.index_cast %mul3A_132 : i32 to index
        %get3A_234 = tpu.vector_load %arg7[%get3A_232, %get3A_233] {strides = array<i32>} : memref<32x1024xf32, #tpu.memory_space<vmem>>, vector<1x16xf32>,
        %get3A_235 = vector.shape_cast %get3A_234 : vector<1x16xf32> to vector<16xf32>
        %add3A_236 = arith.addf %add3A_230, %get3A_235 : vector<16xf32>
        %get3A_237 = arith.constant 15 : i32
        %get3A_238 = arith.index_cast %get3A_237 : i32 to index
        %get3A_239 = arith.index_cast %mul3A_132 : i32 to index
        %get3A_240 = tpu.vector_load %arg7[%get3A_238, %get3A_239] {strides = array<i32>} : memref<32x1024xf32, #tpu.memory_space<vmem>>, vector<1x16xf32>,
        %get3A_241 = vector.shape_cast %get3A_240 : vector<1x16xf32> to vector<16xf32>
        %add3A_242 = arith.addf %add3A_236, %get3A_241 : vector<16xf32>
        %swap3A_243 = arith.constant 1 : i32
        %swap3A_244 = arith.index_cast %swap3A_243 : i32 to index
        %swap3A_245 = arith.index_cast %mul3A_132 : i32 to index
        %swap3A_246 = tpu.vector_load %arg11[%swap3A_244, %swap3A_245] {strides = array<i32>} : memref<4x1024xf32, #tpu.memory_space<vmem>>, vector<1x16xf32>,
        %swap3A_247 = vector.shape_cast %swap3A_246 : vector<1x16xf32> to vector<16xf32>
        %swap3A_248 = vector.shape_cast %add3A_242 : vector<16xf32> to vector<1x16xf32>
        tpu.vector_store %arg11[%swap3A_244, %swap3A_245], %swap3A_248 {strides = array<i32>} : memref<4x1024xf32, #tpu.memory_space<vmem>>, vector<1x16xf32>,
        %get3A_249 = arith.constant 2 : i32
        %get3A_250 = arith.index_cast %get3A_249 : i32 to index
        %get3A_251 = arith.index_cast %mul3A_132 : i32 to index
        %get3A_252 = tpu.vector_load %arg9[%get3A_250, %get3A_251] {strides = array<i32>} : memref<4x1024xf32, #tpu.memory_space<vmem>>, vector<1x16xf32>,
        %get3A_253 = vector.shape_cast %get3A_252 : vector<1x16xf32> to vector<16xf32>
        %get3A_254 = arith.constant 16 : i32
        %get3A_255 = arith.index_cast %get3A_254 : i32 to index
        %get3A_256 = arith.index_cast %mul3A_132 : i32 to index
        %get3A_257 = tpu.vector_load %arg7[%get3A_255, %get3A_256] {strides = array<i32>} : memref<32x1024xf32, #tpu.memory_space<vmem>>, vector<1x16xf32>,
        %get3A_258 = vector.shape_cast %get3A_257 : vector<1x16xf32> to vector<16xf32>
        %add3A_259 = arith.addf %get3A_253, %get3A_258 : vector<16xf32>
        %get3A_260 = arith.constant 17 : i32
        %get3A_261 = arith.index_cast %get3A_260 : i32 to index
        %get3A_262 = arith.index_cast %mul3A_132 : i32 to index
        %get3A_263 = tpu.vector_load %arg7[%get3A_261, %get3A_262] {strides = array<i32>} : memref<32x1024xf32, #tpu.memory_space<vmem>>, vector<1x16xf32>,
        %get3A_264 = vector.shape_cast %get3A_263 : vector<1x16xf32> to vector<16xf32>
        %add3A_265 = arith.addf %add3A_259, %get3A_264 : vector<16xf32>
        %get3A_266 = arith.constant 18 : i32
        %get3A_267 = arith.index_cast %get3A_266 : i32 to index
        %get3A_268 = arith.index_cast %mul3A_132 : i32 to index
        %get3A_269 = tpu.vector_load %arg7[%get3A_267, %get3A_268] {strides = array<i32>} : memref<32x1024xf32, #tpu.memory_space<vmem>>, vector<1x16xf32>,
        %get3A_270 = vector.shape_cast %get3A_269 : vector<1x16xf32> to vector<16xf32>
        %add3A_271 = arith.addf %add3A_265, %get3A_270 : vector<16xf32>
        %get3A_272 = arith.constant 19 : i32
        %get3A_273 = arith.index_cast %get3A_272 : i32 to index
        %get3A_274 = arith.index_cast %mul3A_132 : i32 to index
        %get3A_275 = tpu.vector_load %arg7[%get3A_273, %get3A_274] {strides = array<i32>} : memref<32x1024xf32, #tpu.memory_space<vmem>>, vector<1x16xf32>,
        %get3A_276 = vector.shape_cast %get3A_275 : vector<1x16xf32> to vector<16xf32>
        %add3A_277 = arith.addf %add3A_271, %get3A_276 : vector<16xf32>
        %get3A_278 = arith.constant 20 : i32
        %get3A_279 = arith.index_cast %get3A_278 : i32 to index
        %get3A_280 = arith.index_cast %mul3A_132 : i32 to index
        %get3A_281 = tpu.vector_load %arg7[%get3A_279, %get3A_280] {strides = array<i32>} : memref<32x1024xf32, #tpu.memory_space<vmem>>, vector<1x16xf32>,
        %get3A_282 = vector.shape_cast %get3A_281 : vector<1x16xf32> to vector<16xf32>
        %add3A_283 = arith.addf %add3A_277, %get3A_282 : vector<16xf32>
        %get3A_284 = arith.constant 21 : i32
        %get3A_285 = arith.index_cast %get3A_284 : i32 to index
        %get3A_286 = arith.index_cast %mul3A_132 : i32 to index
        %get3A_287 = tpu.vector_load %arg7[%get3A_285, %get3A_286] {strides = array<i32>} : memref<32x1024xf32, #tpu.memory_space<vmem>>, vector<1x16xf32>,
        %get3A_288 = vector.shape_cast %get3A_287 : vector<1x16xf32> to vector<16xf32>
        %add3A_289 = arith.addf %add3A_283, %get3A_288 : vector<16xf32>
        %get3A_290 = arith.constant 22 : i32
        %get3A_291 = arith.index_cast %get3A_290 : i32 to index
        %get3A_292 = arith.index_cast %mul3A_132 : i32 to index
        %get3A_293 = tpu.vector_load %arg7[%get3A_291, %get3A_292] {strides = array<i32>} : memref<32x1024xf32, #tpu.memory_space<vmem>>, vector<1x16xf32>,
        %get3A_294 = vector.shape_cast %get3A_293 : vector<1x16xf32> to vector<16xf32>
        %add3A_295 = arith.addf %add3A_289, %get3A_294 : vector<16xf32>
        %get3A_296 = arith.constant 23 : i32
        %get3A_297 = arith.index_cast %get3A_296 : i32 to index
        %get3A_298 = arith.index_cast %mul3A_132 : i32 to index
        %get3A_299 = tpu.vector_load %arg7[%get3A_297, %get3A_298] {strides = array<i32>} : memref<32x1024xf32, #tpu.memory_space<vmem>>, vector<1x16xf32>,
        %get3A_300 = vector.shape_cast %get3A_299 : vector<1x16xf32> to vector<16xf32>
        %add3A_301 = arith.addf %add3A_295, %get3A_300 : vector<16xf32>
        %swap3A_302 = arith.constant 2 : i32
        %swap3A_303 = arith.index_cast %swap3A_302 : i32 to index
        %swap3A_304 = arith.index_cast %mul3A_132 : i32 to index
        %swap3A_305 = tpu.vector_load %arg11[%swap3A_303, %swap3A_304] {strides = array<i32>} : memref<4x1024xf32, #tpu.memory_space<vmem>>, vector<1x16xf32>,
        %swap3A_306 = vector.shape_cast %swap3A_305 : vector<1x16xf32> to vector<16xf32>
        %swap3A_307 = vector.shape_cast %add3A_301 : vector<16xf32> to vector<1x16xf32>
        tpu.vector_store %arg11[%swap3A_303, %swap3A_304], %swap3A_307 {strides = array<i32>} : memref<4x1024xf32, #tpu.memory_space<vmem>>, vector<1x16xf32>,
        %get3A_308 = arith.constant 3 : i32
        %get3A_309 = arith.index_cast %get3A_308 : i32 to index
        %get3A_310 = arith.index_cast %mul3A_132 : i32 to index
        %get3A_311 = tpu.vector_load %arg9[%get3A_309, %get3A_310] {strides = array<i32>} : memref<4x1024xf32, #tpu.memory_space<vmem>>, vector<1x16xf32>,
        %get3A_312 = vector.shape_cast %get3A_311 : vector<1x16xf32> to vector<16xf32>
        %get3A_313 = arith.constant 24 : i32
        %get3A_314 = arith.index_cast %get3A_313 : i32 to index
        %get3A_315 = arith.index_cast %mul3A_132 : i32 to index
        %get3A_316 = tpu.vector_load %arg7[%get3A_314, %get3A_315] {strides = array<i32>} : memref<32x1024xf32, #tpu.memory_space<vmem>>, vector<1x16xf32>,
        %get3A_317 = vector.shape_cast %get3A_316 : vector<1x16xf32> to vector<16xf32>
        %add3A_318 = arith.addf %get3A_312, %get3A_317 : vector<16xf32>
        %get3A_319 = arith.constant 25 : i32
        %get3A_320 = arith.index_cast %get3A_319 : i32 to index
        %get3A_321 = arith.index_cast %mul3A_132 : i32 to index
        %get3A_322 = tpu.vector_load %arg7[%get3A_320, %get3A_321] {strides = array<i32>} : memref<32x1024xf32, #tpu.memory_space<vmem>>, vector<1x16xf32>,
        %get3A_323 = vector.shape_cast %get3A_322 : vector<1x16xf32> to vector<16xf32>
        %add3A_324 = arith.addf %add3A_318, %get3A_323 : vector<16xf32>
        %get3A_325 = arith.constant 26 : i32
        %get3A_326 = arith.index_cast %get3A_325 : i32 to index
        %get3A_327 = arith.index_cast %mul3A_132 : i32 to index
        %get3A_328 = tpu.vector_load %arg7[%get3A_326, %get3A_327] {strides = array<i32>} : memref<32x1024xf32, #tpu.memory_space<vmem>>, vector<1x16xf32>,
        %get3A_329 = vector.shape_cast %get3A_328 : vector<1x16xf32> to vector<16xf32>
        %add3A_330 = arith.addf %add3A_324, %get3A_329 : vector<16xf32>
        %get3A_331 = arith.constant 27 : i32
        %get3A_332 = arith.index_cast %get3A_331 : i32 to index
        %get3A_333 = arith.index_cast %mul3A_132 : i32 to index
        %get3A_334 = tpu.vector_load %arg7[%get3A_332, %get3A_333] {strides = array<i32>} : memref<32x1024xf32, #tpu.memory_space<vmem>>, vector<1x16xf32>,
        %get3A_335 = vector.shape_cast %get3A_334 : vector<1x16xf32> to vector<16xf32>
        %add3A_336 = arith.addf %add3A_330, %get3A_335 : vector<16xf32>
        %get3A_337 = arith.constant 28 : i32
        %get3A_338 = arith.index_cast %get3A_337 : i32 to index
        %get3A_339 = arith.index_cast %mul3A_132 : i32 to index
        %get3A_340 = tpu.vector_load %arg7[%get3A_338, %get3A_339] {strides = array<i32>} : memref<32x1024xf32, #tpu.memory_space<vmem>>, vector<1x16xf32>,
        %get3A_341 = vector.shape_cast %get3A_340 : vector<1x16xf32> to vector<16xf32>
        %add3A_342 = arith.addf %add3A_336, %get3A_341 : vector<16xf32>
        %get3A_343 = arith.constant 29 : i32
        %get3A_344 = arith.index_cast %get3A_343 : i32 to index
        %get3A_345 = arith.index_cast %mul3A_132 : i32 to index
        %get3A_346 = tpu.vector_load %arg7[%get3A_344, %get3A_345] {strides = array<i32>} : memref<32x1024xf32, #tpu.memory_space<vmem>>, vector<1x16xf32>,
        %get3A_347 = vector.shape_cast %get3A_346 : vector<1x16xf32> to vector<16xf32>
        %add3A_348 = arith.addf %add3A_342, %get3A_347 : vector<16xf32>
        %get3A_349 = arith.constant 30 : i32
        %get3A_350 = arith.index_cast %get3A_349 : i32 to index
        %get3A_351 = arith.index_cast %mul3A_132 : i32 to index
        %get3A_352 = tpu.vector_load %arg7[%get3A_350, %get3A_351] {strides = array<i32>} : memref<32x1024xf32, #tpu.memory_space<vmem>>, vector<1x16xf32>,
        %get3A_353 = vector.shape_cast %get3A_352 : vector<1x16xf32> to vector<16xf32>
        %add3A_354 = arith.addf %add3A_348, %get3A_353 : vector<16xf32>
        %get3A_355 = arith.constant 31 : i32
        %get3A_356 = arith.index_cast %get3A_355 : i32 to index
        %get3A_357 = arith.index_cast %mul3A_132 : i32 to index
        %get3A_358 = tpu.vector_load %arg7[%get3A_356, %get3A_357] {strides = array<i32>} : memref<32x1024xf32, #tpu.memory_space<vmem>>, vector<1x16xf32>,
        %get3A_359 = vector.shape_cast %get3A_358 : vector<1x16xf32> to vector<16xf32>
        %add3A_360 = arith.addf %add3A_354, %get3A_359 : vector<16xf32>
        %swap3A_361 = arith.constant 3 : i32
        %swap3A_362 = arith.index_cast %swap3A_361 : i32 to index
        %swap3A_363 = arith.index_cast %mul3A_132 : i32 to index
        %swap3A_364 = tpu.vector_load %arg11[%swap3A_362, %swap3A_363] {strides = array<i32>} : memref<4x1024xf32, #tpu.memory_space<vmem>>, vector<1x16xf32>,
        %swap3A_365 = vector.shape_cast %swap3A_364 : vector<1x16xf32> to vector<16xf32>
        %swap3A_366 = vector.shape_cast %add3A_360 : vector<16xf32> to vector<1x16xf32>
        tpu.vector_store %arg11[%swap3A_362, %swap3A_363], %swap3A_366 {strides = array<i32>} : memref<4x1024xf32, #tpu.memory_space<vmem>>, vector<1x16xf32>,
      }
      %scan3A_72 = arith.constant 64 : i32
      %mul3A_73 = arith.constant 512 : i32
      %mul3A_74 = arith.muli %add3A, %mul3A_73 : i32
      %mul3A_75 = arith.constant 4 : i32
      %mul3A_76 = arith.muli %add3A_53, %mul3A_75 : i32
      %add3A_77 = arith.addi %mul3A_74, %mul3A_76 : i32
      %dma_start3A_78 = arith.constant 0 : i32
      %dma_start3A_79 = tpu.memref_slice %arg5[%add3A_77, %dma_start3A_78] : memref<16384x1024xf32, #tpu.memory_space<hbm>> -> memref<4x1024xf32, #tpu.memory_space<hbm>>
      %dma_start3A_80 = arith.constant 0 : i32
      %dma_start3A_81 = tpu.memref_slice %arg5[%add3A_77, %dma_start3A_80] : memref<16384x1024xf32, #tpu.memory_space<hbm>> -> memref<4x1024xf32, #tpu.memory_space<hbm>>
      tpu.enqueue_dma source(%arg11 : memref<4x1024xf32, #tpu.memory_space<vmem>>) target(%dma_start3A_81 : memref<4x1024xf32, #tpu.memory_space<hbm>>) target_semaphore(%arg17 : memref<!tpu.dma_semaphore, #tpu.memory_space<semaphore_mem>>)
      %add3A_82 = arith.constant 2 : i32
      %add3A_83 = arith.addi %add3A_53, %add3A_82 : i32
      %lt3A = arith.constant 128 : i32
      %lt3A_84 = arith.cmpi slt, %add3A_83, %lt3A : i32
      %convert_element_type3A_85 = arith.extui %lt3A_84 : i1 to i32
      %cond3A_86 = arith.constant 0 : i32
      %cond3A_87 = arith.cmpi ne, %convert_element_type3A_85, %cond3A_86 : i32
      scf.if %cond3A_87 {
        %add3A_130 = arith.constant 2 : i32
        %add3A_131 = arith.addi %add3A_53, %add3A_130 : i32
        %mul3A_132 = arith.constant 32 : i32
        %mul3A_133 = arith.muli %add3A_131, %mul3A_132 : i32
        %dma_start3A_134 = tpu.memref_slice %arg6[%mul3A_133] : memref<4096xi32, #tpu.memory_space<vmem>> -> memref<32xi32, #tpu.memory_space<vmem>>
        %dma_start3A_135 = arith.constant 0 : i32
        %dma_start3A_136 = arith.constant 0 : i32
        %dma_start3A_137 = tpu.memref_slice %arg2[%dma_start3A_135, %dma_start3A_136] : memref<8208x1024xf32, #tpu.memory_space<hbm>> -> memref<8208x1024xf32, #tpu.memory_space<hbm>>
        tpu.enqueue_indirect_dma source(%dma_start3A_137 : memref<8208x1024xf32, #tpu.memory_space<hbm>>) target(%arg7 : memref<32x1024xf32, #tpu.memory_space<vmem>>) offsets(%dma_start3A_134 : memref<32xi32, #tpu.memory_space<vmem>>) semaphore(%arg13 : memref<!tpu.dma_semaphore, #tpu.memory_space<semaphore_mem>>)
        %mul3A_138 = arith.constant 512 : i32
        %mul3A_139 = arith.muli %add3A, %mul3A_138 : i32
        %mul3A_140 = arith.constant 4 : i32
        %mul3A_141 = arith.muli %add3A_131, %mul3A_140 : i32
        %add3A_142 = arith.addi %mul3A_139, %mul3A_141 : i32
        %rem3A_143 = arith.constant 2048 : i32
        %rem3A_144 = arith.remsi %add3A_142, %rem3A_143 : i32
        %dma_start3A_145 = arith.constant 0 : i32
        %dma_start3A_146 = tpu.memref_slice %arg4[%rem3A_144, %dma_start3A_145] : memref<2048x1024xf32, #tpu.memory_space<hbm>> -> memref<4x1024xf32, #tpu.memory_space<hbm>>
        %dma_start3A_147 = arith.constant 0 : i32
        %dma_start3A_148 = tpu.memref_slice %arg4[%rem3A_144, %dma_start3A_147] : memref<2048x1024xf32, #tpu.memory_space<hbm>> -> memref<4x1024xf32, #tpu.memory_space<hbm>>
        tpu.enqueue_dma source(%dma_start3A_148 : memref<4x1024xf32, #tpu.memory_space<hbm>>) target(%arg9 : memref<4x1024xf32, #tpu.memory_space<vmem>>) target_semaphore(%arg15 : memref<!tpu.dma_semaphore, #tpu.memory_space<semaphore_mem>>)
      } else {
      }
      %mul3A_88 = arith.constant 2 : i32
      %mul3A_89 = arith.muli %mul3A_88, %scan3A_49 : i32
      %add3A_90 = arith.constant 1 : i32
      %add3A_91 = arith.addi %mul3A_89, %add3A_90 : i32
      %ge3A_92 = arith.constant 1 : i32
      %ge3A_93 = arith.cmpi sge, %scan3A_49, %ge3A_92 : i32
      %convert_element_type3A_94 = arith.extui %ge3A_93 : i1 to i32
      %cond3A_95 = arith.constant 0 : i32
      %cond3A_96 = arith.cmpi ne, %convert_element_type3A_94, %cond3A_95 : i32
      scf.if %cond3A_96 {
        %dma_wait3A_130 = arith.constant 0 : i32
        %dma_wait3A_131 = arith.constant 0 : i32
        %dma_wait3A_132 = tpu.memref_slice %arg5[%dma_wait3A_130, %dma_wait3A_131] : memref<16384x1024xf32, #tpu.memory_space<hbm>> -> memref<4x1024xf32, #tpu.memory_space<hbm>>
        %dma_wait3A_133 = arith.constant 0 : i32
        %dma_wait3A_134 = arith.constant 0 : i32
        %dma_wait3A_135 = tpu.memref_slice %arg5[%dma_wait3A_133, %dma_wait3A_134] : memref<16384x1024xf32, #tpu.memory_space<hbm>> -> memref<4x1024xf32, #tpu.memory_space<hbm>>
        tpu.wait_dma2 semaphore(%arg18 : memref<!tpu.dma_semaphore, #tpu.memory_space<semaphore_mem>>) src(%arg12 : memref<4x1024xf32, #tpu.memory_space<vmem>>) dst(%dma_wait3A_135 : memref<4x1024xf32, #tpu.memory_space<hbm>>)
      } else {
      }
      %dma_wait3A_97 = arith.constant 0 : i32
      %dma_wait3A_98 = tpu.memref_slice %arg6[%dma_wait3A_97] : memref<4096xi32, #tpu.memory_space<vmem>> -> memref<32xi32, #tpu.memory_space<vmem>>
      %dma_wait3A_99 = arith.constant 0 : i32
      %dma_wait3A_100 = arith.constant 0 : i32
      %dma_wait3A_101 = tpu.memref_slice %arg2[%dma_wait3A_99, %dma_wait3A_100] : memref<8208x1024xf32, #tpu.memory_space<hbm>> -> memref<8208x1024xf32, #tpu.memory_space<hbm>>
      tpu.wait_indirect_dma semaphore(%arg14 : memref<!tpu.dma_semaphore, #tpu.memory_space<semaphore_mem>>) src(%dma_wait3A_101 : memref<8208x1024xf32, #tpu.memory_space<hbm>>) dst(%arg8 : memref<32x1024xf32, #tpu.memory_space<vmem>>)
      %dma_wait3A_102 = arith.constant 0 : i32
      %dma_wait3A_103 = arith.constant 0 : i32
      %dma_wait3A_104 = tpu.memref_slice %arg4[%dma_wait3A_102, %dma_wait3A_103] : memref<2048x1024xf32, #tpu.memory_space<hbm>> -> memref<4x1024xf32, #tpu.memory_space<hbm>>
      %dma_wait3A_105 = arith.constant 0 : i32
      %dma_wait3A_106 = arith.constant 0 : i32
      %dma_wait3A_107 = tpu.memref_slice %arg4[%dma_wait3A_105, %dma_wait3A_106] : memref<2048x1024xf32, #tpu.memory_space<hbm>> -> memref<4x1024xf32, #tpu.memory_space<hbm>>
      tpu.wait_dma2 semaphore(%arg16 : memref<!tpu.dma_semaphore, #tpu.memory_space<semaphore_mem>>) src(%dma_wait3A_107 : memref<4x1024xf32, #tpu.memory_space<hbm>>) dst(%arg10 : memref<4x1024xf32, #tpu.memory_space<vmem>>)
      %scan3A_108 = arith.constant 0 : i32
      %scan3A_109 = arith.constant 0 : i32
      %scan3A_110 = arith.constant 64 : i32
      %scan3A_111 = arith.addi %scan3A_109, %scan3A_110 : i32
      %scan3A_112 = arith.constant 1 : i32
      scf.for %scan3A_130 = %scan3A_109 to %scan3A_111 step %scan3A_112  : i32 {
        %mul3A_131 = arith.constant 16 : i32
        %mul3A_132 = arith.muli %scan3A_130, %mul3A_131 : i32
        %get3A = arith.constant 0 : i32
        %get3A_133 = arith.index_cast %get3A : i32 to index
        %get3A_134 = arith.index_cast %mul3A_132 : i32 to index
        %get3A_135 = tpu.vector_load %arg10[%get3A_133, %get3A_134] {strides = array<i32>} : memref<4x1024xf32, #tpu.memory_space<vmem>>, vector<1x16xf32>,
        %get3A_136 = vector.shape_cast %get3A_135 : vector<1x16xf32> to vector<16xf32>
        %get3A_137 = arith.constant 0 : i32
        %get3A_138 = arith.index_cast %get3A_137 : i32 to index
        %get3A_139 = arith.index_cast %mul3A_132 : i32 to index
        %get3A_140 = tpu.vector_load %arg8[%get3A_138, %get3A_139] {strides = array<i32>} : memref<32x1024xf32, #tpu.memory_space<vmem>>, vector<1x16xf32>,
        %get3A_141 = vector.shape_cast %get3A_140 : vector<1x16xf32> to vector<16xf32>
        %add3A_142 = arith.addf %get3A_136, %get3A_141 : vector<16xf32>
        %get3A_143 = arith.constant 1 : i32
        %get3A_144 = arith.index_cast %get3A_143 : i32 to index
        %get3A_145 = arith.index_cast %mul3A_132 : i32 to index
        %get3A_146 = tpu.vector_load %arg8[%get3A_144, %get3A_145] {strides = array<i32>} : memref<32x1024xf32, #tpu.memory_space<vmem>>, vector<1x16xf32>,
        %get3A_147 = vector.shape_cast %get3A_146 : vector<1x16xf32> to vector<16xf32>
        %add3A_148 = arith.addf %add3A_142, %get3A_147 : vector<16xf32>
        %get3A_149 = arith.constant 2 : i32
        %get3A_150 = arith.index_cast %get3A_149 : i32 to index
        %get3A_151 = arith.index_cast %mul3A_132 : i32 to index
        %get3A_152 = tpu.vector_load %arg8[%get3A_150, %get3A_151] {strides = array<i32>} : memref<32x1024xf32, #tpu.memory_space<vmem>>, vector<1x16xf32>,
        %get3A_153 = vector.shape_cast %get3A_152 : vector<1x16xf32> to vector<16xf32>
        %add3A_154 = arith.addf %add3A_148, %get3A_153 : vector<16xf32>
        %get3A_155 = arith.constant 3 : i32
        %get3A_156 = arith.index_cast %get3A_155 : i32 to index
        %get3A_157 = arith.index_cast %mul3A_132 : i32 to index
        %get3A_158 = tpu.vector_load %arg8[%get3A_156, %get3A_157] {strides = array<i32>} : memref<32x1024xf32, #tpu.memory_space<vmem>>, vector<1x16xf32>,
        %get3A_159 = vector.shape_cast %get3A_158 : vector<1x16xf32> to vector<16xf32>
        %add3A_160 = arith.addf %add3A_154, %get3A_159 : vector<16xf32>
        %get3A_161 = arith.constant 4 : i32
        %get3A_162 = arith.index_cast %get3A_161 : i32 to index
        %get3A_163 = arith.index_cast %mul3A_132 : i32 to index
        %get3A_164 = tpu.vector_load %arg8[%get3A_162, %get3A_163] {strides = array<i32>} : memref<32x1024xf32, #tpu.memory_space<vmem>>, vector<1x16xf32>,
        %get3A_165 = vector.shape_cast %get3A_164 : vector<1x16xf32> to vector<16xf32>
        %add3A_166 = arith.addf %add3A_160, %get3A_165 : vector<16xf32>
        %get3A_167 = arith.constant 5 : i32
        %get3A_168 = arith.index_cast %get3A_167 : i32 to index
        %get3A_169 = arith.index_cast %mul3A_132 : i32 to index
        %get3A_170 = tpu.vector_load %arg8[%get3A_168, %get3A_169] {strides = array<i32>} : memref<32x1024xf32, #tpu.memory_space<vmem>>, vector<1x16xf32>,
        %get3A_171 = vector.shape_cast %get3A_170 : vector<1x16xf32> to vector<16xf32>
        %add3A_172 = arith.addf %add3A_166, %get3A_171 : vector<16xf32>
        %get3A_173 = arith.constant 6 : i32
        %get3A_174 = arith.index_cast %get3A_173 : i32 to index
        %get3A_175 = arith.index_cast %mul3A_132 : i32 to index
        %get3A_176 = tpu.vector_load %arg8[%get3A_174, %get3A_175] {strides = array<i32>} : memref<32x1024xf32, #tpu.memory_space<vmem>>, vector<1x16xf32>,
        %get3A_177 = vector.shape_cast %get3A_176 : vector<1x16xf32> to vector<16xf32>
        %add3A_178 = arith.addf %add3A_172, %get3A_177 : vector<16xf32>
        %get3A_179 = arith.constant 7 : i32
        %get3A_180 = arith.index_cast %get3A_179 : i32 to index
        %get3A_181 = arith.index_cast %mul3A_132 : i32 to index
        %get3A_182 = tpu.vector_load %arg8[%get3A_180, %get3A_181] {strides = array<i32>} : memref<32x1024xf32, #tpu.memory_space<vmem>>, vector<1x16xf32>,
        %get3A_183 = vector.shape_cast %get3A_182 : vector<1x16xf32> to vector<16xf32>
        %add3A_184 = arith.addf %add3A_178, %get3A_183 : vector<16xf32>
        %swap3A = arith.constant 0 : i32
        %swap3A_185 = arith.index_cast %swap3A : i32 to index
        %swap3A_186 = arith.index_cast %mul3A_132 : i32 to index
        %swap3A_187 = tpu.vector_load %arg12[%swap3A_185, %swap3A_186] {strides = array<i32>} : memref<4x1024xf32, #tpu.memory_space<vmem>>, vector<1x16xf32>,
        %swap3A_188 = vector.shape_cast %swap3A_187 : vector<1x16xf32> to vector<16xf32>
        %swap3A_189 = vector.shape_cast %add3A_184 : vector<16xf32> to vector<1x16xf32>
        tpu.vector_store %arg12[%swap3A_185, %swap3A_186], %swap3A_189 {strides = array<i32>} : memref<4x1024xf32, #tpu.memory_space<vmem>>, vector<1x16xf32>,
        %get3A_190 = arith.constant 1 : i32
        %get3A_191 = arith.index_cast %get3A_190 : i32 to index
        %get3A_192 = arith.index_cast %mul3A_132 : i32 to index
        %get3A_193 = tpu.vector_load %arg10[%get3A_191, %get3A_192] {strides = array<i32>} : memref<4x1024xf32, #tpu.memory_space<vmem>>, vector<1x16xf32>,
        %get3A_194 = vector.shape_cast %get3A_193 : vector<1x16xf32> to vector<16xf32>
        %get3A_195 = arith.constant 8 : i32
        %get3A_196 = arith.index_cast %get3A_195 : i32 to index
        %get3A_197 = arith.index_cast %mul3A_132 : i32 to index
        %get3A_198 = tpu.vector_load %arg8[%get3A_196, %get3A_197] {strides = array<i32>} : memref<32x1024xf32, #tpu.memory_space<vmem>>, vector<1x16xf32>,
        %get3A_199 = vector.shape_cast %get3A_198 : vector<1x16xf32> to vector<16xf32>
        %add3A_200 = arith.addf %get3A_194, %get3A_199 : vector<16xf32>
        %get3A_201 = arith.constant 9 : i32
        %get3A_202 = arith.index_cast %get3A_201 : i32 to index
        %get3A_203 = arith.index_cast %mul3A_132 : i32 to index
        %get3A_204 = tpu.vector_load %arg8[%get3A_202, %get3A_203] {strides = array<i32>} : memref<32x1024xf32, #tpu.memory_space<vmem>>, vector<1x16xf32>,
        %get3A_205 = vector.shape_cast %get3A_204 : vector<1x16xf32> to vector<16xf32>
        %add3A_206 = arith.addf %add3A_200, %get3A_205 : vector<16xf32>
        %get3A_207 = arith.constant 10 : i32
        %get3A_208 = arith.index_cast %get3A_207 : i32 to index
        %get3A_209 = arith.index_cast %mul3A_132 : i32 to index
        %get3A_210 = tpu.vector_load %arg8[%get3A_208, %get3A_209] {strides = array<i32>} : memref<32x1024xf32, #tpu.memory_space<vmem>>, vector<1x16xf32>,
        %get3A_211 = vector.shape_cast %get3A_210 : vector<1x16xf32> to vector<16xf32>
        %add3A_212 = arith.addf %add3A_206, %get3A_211 : vector<16xf32>
        %get3A_213 = arith.constant 11 : i32
        %get3A_214 = arith.index_cast %get3A_213 : i32 to index
        %get3A_215 = arith.index_cast %mul3A_132 : i32 to index
        %get3A_216 = tpu.vector_load %arg8[%get3A_214, %get3A_215] {strides = array<i32>} : memref<32x1024xf32, #tpu.memory_space<vmem>>, vector<1x16xf32>,
        %get3A_217 = vector.shape_cast %get3A_216 : vector<1x16xf32> to vector<16xf32>
        %add3A_218 = arith.addf %add3A_212, %get3A_217 : vector<16xf32>
        %get3A_219 = arith.constant 12 : i32
        %get3A_220 = arith.index_cast %get3A_219 : i32 to index
        %get3A_221 = arith.index_cast %mul3A_132 : i32 to index
        %get3A_222 = tpu.vector_load %arg8[%get3A_220, %get3A_221] {strides = array<i32>} : memref<32x1024xf32, #tpu.memory_space<vmem>>, vector<1x16xf32>,
        %get3A_223 = vector.shape_cast %get3A_222 : vector<1x16xf32> to vector<16xf32>
        %add3A_224 = arith.addf %add3A_218, %get3A_223 : vector<16xf32>
        %get3A_225 = arith.constant 13 : i32
        %get3A_226 = arith.index_cast %get3A_225 : i32 to index
        %get3A_227 = arith.index_cast %mul3A_132 : i32 to index
        %get3A_228 = tpu.vector_load %arg8[%get3A_226, %get3A_227] {strides = array<i32>} : memref<32x1024xf32, #tpu.memory_space<vmem>>, vector<1x16xf32>,
        %get3A_229 = vector.shape_cast %get3A_228 : vector<1x16xf32> to vector<16xf32>
        %add3A_230 = arith.addf %add3A_224, %get3A_229 : vector<16xf32>
        %get3A_231 = arith.constant 14 : i32
        %get3A_232 = arith.index_cast %get3A_231 : i32 to index
        %get3A_233 = arith.index_cast %mul3A_132 : i32 to index
        %get3A_234 = tpu.vector_load %arg8[%get3A_232, %get3A_233] {strides = array<i32>} : memref<32x1024xf32, #tpu.memory_space<vmem>>, vector<1x16xf32>,
        %get3A_235 = vector.shape_cast %get3A_234 : vector<1x16xf32> to vector<16xf32>
        %add3A_236 = arith.addf %add3A_230, %get3A_235 : vector<16xf32>
        %get3A_237 = arith.constant 15 : i32
        %get3A_238 = arith.index_cast %get3A_237 : i32 to index
        %get3A_239 = arith.index_cast %mul3A_132 : i32 to index
        %get3A_240 = tpu.vector_load %arg8[%get3A_238, %get3A_239] {strides = array<i32>} : memref<32x1024xf32, #tpu.memory_space<vmem>>, vector<1x16xf32>,
        %get3A_241 = vector.shape_cast %get3A_240 : vector<1x16xf32> to vector<16xf32>
        %add3A_242 = arith.addf %add3A_236, %get3A_241 : vector<16xf32>
        %swap3A_243 = arith.constant 1 : i32
        %swap3A_244 = arith.index_cast %swap3A_243 : i32 to index
        %swap3A_245 = arith.index_cast %mul3A_132 : i32 to index
        %swap3A_246 = tpu.vector_load %arg12[%swap3A_244, %swap3A_245] {strides = array<i32>} : memref<4x1024xf32, #tpu.memory_space<vmem>>, vector<1x16xf32>,
        %swap3A_247 = vector.shape_cast %swap3A_246 : vector<1x16xf32> to vector<16xf32>
        %swap3A_248 = vector.shape_cast %add3A_242 : vector<16xf32> to vector<1x16xf32>
        tpu.vector_store %arg12[%swap3A_244, %swap3A_245], %swap3A_248 {strides = array<i32>} : memref<4x1024xf32, #tpu.memory_space<vmem>>, vector<1x16xf32>,
        %get3A_249 = arith.constant 2 : i32
        %get3A_250 = arith.index_cast %get3A_249 : i32 to index
        %get3A_251 = arith.index_cast %mul3A_132 : i32 to index
        %get3A_252 = tpu.vector_load %arg10[%get3A_250, %get3A_251] {strides = array<i32>} : memref<4x1024xf32, #tpu.memory_space<vmem>>, vector<1x16xf32>,
        %get3A_253 = vector.shape_cast %get3A_252 : vector<1x16xf32> to vector<16xf32>
        %get3A_254 = arith.constant 16 : i32
        %get3A_255 = arith.index_cast %get3A_254 : i32 to index
        %get3A_256 = arith.index_cast %mul3A_132 : i32 to index
        %get3A_257 = tpu.vector_load %arg8[%get3A_255, %get3A_256] {strides = array<i32>} : memref<32x1024xf32, #tpu.memory_space<vmem>>, vector<1x16xf32>,
        %get3A_258 = vector.shape_cast %get3A_257 : vector<1x16xf32> to vector<16xf32>
        %add3A_259 = arith.addf %get3A_253, %get3A_258 : vector<16xf32>
        %get3A_260 = arith.constant 17 : i32
        %get3A_261 = arith.index_cast %get3A_260 : i32 to index
        %get3A_262 = arith.index_cast %mul3A_132 : i32 to index
        %get3A_263 = tpu.vector_load %arg8[%get3A_261, %get3A_262] {strides = array<i32>} : memref<32x1024xf32, #tpu.memory_space<vmem>>, vector<1x16xf32>,
        %get3A_264 = vector.shape_cast %get3A_263 : vector<1x16xf32> to vector<16xf32>
        %add3A_265 = arith.addf %add3A_259, %get3A_264 : vector<16xf32>
        %get3A_266 = arith.constant 18 : i32
        %get3A_267 = arith.index_cast %get3A_266 : i32 to index
        %get3A_268 = arith.index_cast %mul3A_132 : i32 to index
        %get3A_269 = tpu.vector_load %arg8[%get3A_267, %get3A_268] {strides = array<i32>} : memref<32x1024xf32, #tpu.memory_space<vmem>>, vector<1x16xf32>,
        %get3A_270 = vector.shape_cast %get3A_269 : vector<1x16xf32> to vector<16xf32>
        %add3A_271 = arith.addf %add3A_265, %get3A_270 : vector<16xf32>
        %get3A_272 = arith.constant 19 : i32
        %get3A_273 = arith.index_cast %get3A_272 : i32 to index
        %get3A_274 = arith.index_cast %mul3A_132 : i32 to index
        %get3A_275 = tpu.vector_load %arg8[%get3A_273, %get3A_274] {strides = array<i32>} : memref<32x1024xf32, #tpu.memory_space<vmem>>, vector<1x16xf32>,
        %get3A_276 = vector.shape_cast %get3A_275 : vector<1x16xf32> to vector<16xf32>
        %add3A_277 = arith.addf %add3A_271, %get3A_276 : vector<16xf32>
        %get3A_278 = arith.constant 20 : i32
        %get3A_279 = arith.index_cast %get3A_278 : i32 to index
        %get3A_280 = arith.index_cast %mul3A_132 : i32 to index
        %get3A_281 = tpu.vector_load %arg8[%get3A_279, %get3A_280] {strides = array<i32>} : memref<32x1024xf32, #tpu.memory_space<vmem>>, vector<1x16xf32>,
        %get3A_282 = vector.shape_cast %get3A_281 : vector<1x16xf32> to vector<16xf32>
        %add3A_283 = arith.addf %add3A_277, %get3A_282 : vector<16xf32>
        %get3A_284 = arith.constant 21 : i32
        %get3A_285 = arith.index_cast %get3A_284 : i32 to index
        %get3A_286 = arith.index_cast %mul3A_132 : i32 to index
        %get3A_287 = tpu.vector_load %arg8[%get3A_285, %get3A_286] {strides = array<i32>} : memref<32x1024xf32, #tpu.memory_space<vmem>>, vector<1x16xf32>,
        %get3A_288 = vector.shape_cast %get3A_287 : vector<1x16xf32> to vector<16xf32>
        %add3A_289 = arith.addf %add3A_283, %get3A_288 : vector<16xf32>
        %get3A_290 = arith.constant 22 : i32
        %get3A_291 = arith.index_cast %get3A_290 : i32 to index
        %get3A_292 = arith.index_cast %mul3A_132 : i32 to index
        %get3A_293 = tpu.vector_load %arg8[%get3A_291, %get3A_292] {strides = array<i32>} : memref<32x1024xf32, #tpu.memory_space<vmem>>, vector<1x16xf32>,
        %get3A_294 = vector.shape_cast %get3A_293 : vector<1x16xf32> to vector<16xf32>
        %add3A_295 = arith.addf %add3A_289, %get3A_294 : vector<16xf32>
        %get3A_296 = arith.constant 23 : i32
        %get3A_297 = arith.index_cast %get3A_296 : i32 to index
        %get3A_298 = arith.index_cast %mul3A_132 : i32 to index
        %get3A_299 = tpu.vector_load %arg8[%get3A_297, %get3A_298] {strides = array<i32>} : memref<32x1024xf32, #tpu.memory_space<vmem>>, vector<1x16xf32>,
        %get3A_300 = vector.shape_cast %get3A_299 : vector<1x16xf32> to vector<16xf32>
        %add3A_301 = arith.addf %add3A_295, %get3A_300 : vector<16xf32>
        %swap3A_302 = arith.constant 2 : i32
        %swap3A_303 = arith.index_cast %swap3A_302 : i32 to index
        %swap3A_304 = arith.index_cast %mul3A_132 : i32 to index
        %swap3A_305 = tpu.vector_load %arg12[%swap3A_303, %swap3A_304] {strides = array<i32>} : memref<4x1024xf32, #tpu.memory_space<vmem>>, vector<1x16xf32>,
        %swap3A_306 = vector.shape_cast %swap3A_305 : vector<1x16xf32> to vector<16xf32>
        %swap3A_307 = vector.shape_cast %add3A_301 : vector<16xf32> to vector<1x16xf32>
        tpu.vector_store %arg12[%swap3A_303, %swap3A_304], %swap3A_307 {strides = array<i32>} : memref<4x1024xf32, #tpu.memory_space<vmem>>, vector<1x16xf32>,
        %get3A_308 = arith.constant 3 : i32
        %get3A_309 = arith.index_cast %get3A_308 : i32 to index
        %get3A_310 = arith.index_cast %mul3A_132 : i32 to index
        %get3A_311 = tpu.vector_load %arg10[%get3A_309, %get3A_310] {strides = array<i32>} : memref<4x1024xf32, #tpu.memory_space<vmem>>, vector<1x16xf32>,
        %get3A_312 = vector.shape_cast %get3A_311 : vector<1x16xf32> to vector<16xf32>
        %get3A_313 = arith.constant 24 : i32
        %get3A_314 = arith.index_cast %get3A_313 : i32 to index
        %get3A_315 = arith.index_cast %mul3A_132 : i32 to index
        %get3A_316 = tpu.vector_load %arg8[%get3A_314, %get3A_315] {strides = array<i32>} : memref<32x1024xf32, #tpu.memory_space<vmem>>, vector<1x16xf32>,
        %get3A_317 = vector.shape_cast %get3A_316 : vector<1x16xf32> to vector<16xf32>
        %add3A_318 = arith.addf %get3A_312, %get3A_317 : vector<16xf32>
        %get3A_319 = arith.constant 25 : i32
        %get3A_320 = arith.index_cast %get3A_319 : i32 to index
        %get3A_321 = arith.index_cast %mul3A_132 : i32 to index
        %get3A_322 = tpu.vector_load %arg8[%get3A_320, %get3A_321] {strides = array<i32>} : memref<32x1024xf32, #tpu.memory_space<vmem>>, vector<1x16xf32>,
        %get3A_323 = vector.shape_cast %get3A_322 : vector<1x16xf32> to vector<16xf32>
        %add3A_324 = arith.addf %add3A_318, %get3A_323 : vector<16xf32>
        %get3A_325 = arith.constant 26 : i32
        %get3A_326 = arith.index_cast %get3A_325 : i32 to index
        %get3A_327 = arith.index_cast %mul3A_132 : i32 to index
        %get3A_328 = tpu.vector_load %arg8[%get3A_326, %get3A_327] {strides = array<i32>} : memref<32x1024xf32, #tpu.memory_space<vmem>>, vector<1x16xf32>,
        %get3A_329 = vector.shape_cast %get3A_328 : vector<1x16xf32> to vector<16xf32>
        %add3A_330 = arith.addf %add3A_324, %get3A_329 : vector<16xf32>
        %get3A_331 = arith.constant 27 : i32
        %get3A_332 = arith.index_cast %get3A_331 : i32 to index
        %get3A_333 = arith.index_cast %mul3A_132 : i32 to index
        %get3A_334 = tpu.vector_load %arg8[%get3A_332, %get3A_333] {strides = array<i32>} : memref<32x1024xf32, #tpu.memory_space<vmem>>, vector<1x16xf32>,
        %get3A_335 = vector.shape_cast %get3A_334 : vector<1x16xf32> to vector<16xf32>
        %add3A_336 = arith.addf %add3A_330, %get3A_335 : vector<16xf32>
        %get3A_337 = arith.constant 28 : i32
        %get3A_338 = arith.index_cast %get3A_337 : i32 to index
        %get3A_339 = arith.index_cast %mul3A_132 : i32 to index
        %get3A_340 = tpu.vector_load %arg8[%get3A_338, %get3A_339] {strides = array<i32>} : memref<32x1024xf32, #tpu.memory_space<vmem>>, vector<1x16xf32>,
        %get3A_341 = vector.shape_cast %get3A_340 : vector<1x16xf32> to vector<16xf32>
        %add3A_342 = arith.addf %add3A_336, %get3A_341 : vector<16xf32>
        %get3A_343 = arith.constant 29 : i32
        %get3A_344 = arith.index_cast %get3A_343 : i32 to index
        %get3A_345 = arith.index_cast %mul3A_132 : i32 to index
        %get3A_346 = tpu.vector_load %arg8[%get3A_344, %get3A_345] {strides = array<i32>} : memref<32x1024xf32, #tpu.memory_space<vmem>>, vector<1x16xf32>,
        %get3A_347 = vector.shape_cast %get3A_346 : vector<1x16xf32> to vector<16xf32>
        %add3A_348 = arith.addf %add3A_342, %get3A_347 : vector<16xf32>
        %get3A_349 = arith.constant 30 : i32
        %get3A_350 = arith.index_cast %get3A_349 : i32 to index
        %get3A_351 = arith.index_cast %mul3A_132 : i32 to index
        %get3A_352 = tpu.vector_load %arg8[%get3A_350, %get3A_351] {strides = array<i32>} : memref<32x1024xf32, #tpu.memory_space<vmem>>, vector<1x16xf32>,
        %get3A_353 = vector.shape_cast %get3A_352 : vector<1x16xf32> to vector<16xf32>
        %add3A_354 = arith.addf %add3A_348, %get3A_353 : vector<16xf32>
        %get3A_355 = arith.constant 31 : i32
        %get3A_356 = arith.index_cast %get3A_355 : i32 to index
        %get3A_357 = arith.index_cast %mul3A_132 : i32 to index
        %get3A_358 = tpu.vector_load %arg8[%get3A_356, %get3A_357] {strides = array<i32>} : memref<32x1024xf32, #tpu.memory_space<vmem>>, vector<1x16xf32>,
        %get3A_359 = vector.shape_cast %get3A_358 : vector<1x16xf32> to vector<16xf32>
        %add3A_360 = arith.addf %add3A_354, %get3A_359 : vector<16xf32>
        %swap3A_361 = arith.constant 3 : i32
        %swap3A_362 = arith.index_cast %swap3A_361 : i32 to index
        %swap3A_363 = arith.index_cast %mul3A_132 : i32 to index
        %swap3A_364 = tpu.vector_load %arg12[%swap3A_362, %swap3A_363] {strides = array<i32>} : memref<4x1024xf32, #tpu.memory_space<vmem>>, vector<1x16xf32>,
        %swap3A_365 = vector.shape_cast %swap3A_364 : vector<1x16xf32> to vector<16xf32>
        %swap3A_366 = vector.shape_cast %add3A_360 : vector<16xf32> to vector<1x16xf32>
        tpu.vector_store %arg12[%swap3A_362, %swap3A_363], %swap3A_366 {strides = array<i32>} : memref<4x1024xf32, #tpu.memory_space<vmem>>, vector<1x16xf32>,
      }
      %scan3A_113 = arith.constant 64 : i32
      %mul3A_114 = arith.constant 512 : i32
      %mul3A_115 = arith.muli %add3A, %mul3A_114 : i32
      %mul3A_116 = arith.constant 4 : i32
      %mul3A_117 = arith.muli %add3A_91, %mul3A_116 : i32
      %add3A_118 = arith.addi %mul3A_115, %mul3A_117 : i32
      %dma_start3A_119 = arith.constant 0 : i32
      %dma_start3A_120 = tpu.memref_slice %arg5[%add3A_118, %dma_start3A_119] : memref<16384x1024xf32, #tpu.memory_space<hbm>> -> memref<4x1024xf32, #tpu.memory_space<hbm>>
      %dma_start3A_121 = arith.constant 0 : i32
      %dma_start3A_122 = tpu.memref_slice %arg5[%add3A_118, %dma_start3A_121] : memref<16384x1024xf32, #tpu.memory_space<hbm>> -> memref<4x1024xf32, #tpu.memory_space<hbm>>
      tpu.enqueue_dma source(%arg12 : memref<4x1024xf32, #tpu.memory_space<vmem>>) target(%dma_start3A_122 : memref<4x1024xf32, #tpu.memory_space<hbm>>) target_semaphore(%arg18 : memref<!tpu.dma_semaphore, #tpu.memory_space<semaphore_mem>>)
      %add3A_123 = arith.constant 2 : i32
      %add3A_124 = arith.addi %add3A_91, %add3A_123 : i32
      %lt3A_125 = arith.constant 128 : i32
      %lt3A_126 = arith.cmpi slt, %add3A_124, %lt3A_125 : i32
      %convert_element_type3A_127 = arith.extui %lt3A_126 : i1 to i32
      %cond3A_128 = arith.constant 0 : i32
      %cond3A_129 = arith.cmpi ne, %convert_element_type3A_127, %cond3A_128 : i32
      scf.if %cond3A_129 {
        %add3A_130 = arith.constant 2 : i32
        %add3A_131 = arith.addi %add3A_91, %add3A_130 : i32
        %mul3A_132 = arith.constant 32 : i32
        %mul3A_133 = arith.muli %add3A_131, %mul3A_132 : i32
        %dma_start3A_134 = tpu.memref_slice %arg6[%mul3A_133] : memref<4096xi32, #tpu.memory_space<vmem>> -> memref<32xi32, #tpu.memory_space<vmem>>
        %dma_start3A_135 = arith.constant 0 : i32
        %dma_start3A_136 = arith.constant 0 : i32
        %dma_start3A_137 = tpu.memref_slice %arg2[%dma_start3A_135, %dma_start3A_136] : memref<8208x1024xf32, #tpu.memory_space<hbm>> -> memref<8208x1024xf32, #tpu.memory_space<hbm>>
        tpu.enqueue_indirect_dma source(%dma_start3A_137 : memref<8208x1024xf32, #tpu.memory_space<hbm>>) target(%arg8 : memref<32x1024xf32, #tpu.memory_space<vmem>>) offsets(%dma_start3A_134 : memref<32xi32, #tpu.memory_space<vmem>>) semaphore(%arg14 : memref<!tpu.dma_semaphore, #tpu.memory_space<semaphore_mem>>)
        %mul3A_138 = arith.constant 512 : i32
        %mul3A_139 = arith.muli %add3A, %mul3A_138 : i32
        %mul3A_140 = arith.constant 4 : i32
        %mul3A_141 = arith.muli %add3A_131, %mul3A_140 : i32
        %add3A_142 = arith.addi %mul3A_139, %mul3A_141 : i32
        %rem3A_143 = arith.constant 2048 : i32
        %rem3A_144 = arith.remsi %add3A_142, %rem3A_143 : i32
        %dma_start3A_145 = arith.constant 0 : i32
        %dma_start3A_146 = tpu.memref_slice %arg4[%rem3A_144, %dma_start3A_145] : memref<2048x1024xf32, #tpu.memory_space<hbm>> -> memref<4x1024xf32, #tpu.memory_space<hbm>>
        %dma_start3A_147 = arith.constant 0 : i32
        %dma_start3A_148 = tpu.memref_slice %arg4[%rem3A_144, %dma_start3A_147] : memref<2048x1024xf32, #tpu.memory_space<hbm>> -> memref<4x1024xf32, #tpu.memory_space<hbm>>
        tpu.enqueue_dma source(%dma_start3A_148 : memref<4x1024xf32, #tpu.memory_space<hbm>>) target(%arg10 : memref<4x1024xf32, #tpu.memory_space<vmem>>) target_semaphore(%arg16 : memref<!tpu.dma_semaphore, #tpu.memory_space<semaphore_mem>>)
      } else {
      }
    }
    %scan3A_37 = arith.constant 64 : i32
    %dma_wait3A = arith.constant 0 : i32
    %dma_wait3A_38 = arith.constant 0 : i32
    %dma_wait3A_39 = tpu.memref_slice %arg5[%dma_wait3A, %dma_wait3A_38] : memref<16384x1024xf32, #tpu.memory_space<hbm>> -> memref<4x1024xf32, #tpu.memory_space<hbm>>
    %dma_wait3A_40 = arith.constant 0 : i32
    %dma_wait3A_41 = arith.constant 0 : i32
    %dma_wait3A_42 = tpu.memref_slice %arg5[%dma_wait3A_40, %dma_wait3A_41] : memref<16384x1024xf32, #tpu.memory_space<hbm>> -> memref<4x1024xf32, #tpu.memory_space<hbm>>
    tpu.wait_dma2 semaphore(%arg17 : memref<!tpu.dma_semaphore, #tpu.memory_space<semaphore_mem>>) src(%arg11 : memref<4x1024xf32, #tpu.memory_space<vmem>>) dst(%dma_wait3A_42 : memref<4x1024xf32, #tpu.memory_space<hbm>>)
    %dma_wait3A_43 = arith.constant 0 : i32
    %dma_wait3A_44 = arith.constant 0 : i32
    %dma_wait3A_45 = tpu.memref_slice %arg5[%dma_wait3A_43, %dma_wait3A_44] : memref<16384x1024xf32, #tpu.memory_space<hbm>> -> memref<4x1024xf32, #tpu.memory_space<hbm>>
    %dma_wait3A_46 = arith.constant 0 : i32
    %dma_wait3A_47 = arith.constant 0 : i32
    %dma_wait3A_48 = tpu.memref_slice %arg5[%dma_wait3A_46, %dma_wait3A_47] : memref<16384x1024xf32, #tpu.memory_space<hbm>> -> memref<4x1024xf32, #tpu.memory_space<hbm>>
    tpu.wait_dma2 semaphore(%arg18 : memref<!tpu.dma_semaphore, #tpu.memory_space<semaphore_mem>>) src(%arg12 : memref<4x1024xf32, #tpu.memory_space<vmem>>) dst(%dma_wait3A_48 : memref<4x1024xf32, #tpu.memory_space<hbm>>)
    return
  }
}

</mosaic_0001>

<sc_bundles>
// kernel: kernel.3.cloned.1.call-start
scs
__scs_entry_jumppad:
0x0: {  	(pc) =	sbr.rel $0x88, $3  }
0x1: {  	(tag) =	ssettag $0x0;
	lr =	simm.s32 $0x1  }
0x2: {  	[smem:$0x3F9E] =	sst lr;
	_ =	strace $0xD0000000  }
0x3: {  	_ = 	snop  }
0x4: {  	_ = 	snop  }
0x5: {  	_ = 	snop  }
0x6: {  	_ = 	snop  }
0x7: {  	_ = 	snop  }
__scs_overlays_trampoline_lowered:
0x8: {  	[smem:$0x3FAD] =	sst s0  }
0x9: {  	[smem:$0x3FAE] =	sst s1  }
0xa: {  	[smem:$0x3FAF] =	sst s2  }
0xb: {  	[smem:$0x3FB0] =	sst s3  }
0xc: {  	[smem:$0x3FB1] =	sst s4  }
0xd: {  	[smem:$0x3FB2] =	sst s5  }
0xe: {  	[smem:$0x3FB3] =	sst s6  }
0xf: {  	[smem:$0x3FB4] =	sst s7  }
0x10: {  	[smem:$0x3FB5] =	sst s8  }
0x11: {  	[smem:$0x3FB6] =	sst s9;
	s0 =	simm.s32 @!p0 $0x0  }
0x12: {  	s1 =	sld [smem:$0x3F9C];
	s0 =	simm.s32 @p0 $0x1  }
0x13: {  	[smem:$0x3FB7] =	sst s0;
	s0 =	simm.s32 @!p1 $0x0  }
0x14: {  	s2 =	sld [smem:$0x3F9B];
	s0 =	simm.s32 @p1 $0x1  }
0x15: {  	[smem:$0x3FB8] =	sst s0;
	s0 =	simm.s32 @!p2 $0x0  }
0x16: {  	s3 =	sld [smem:$0x3FDB];
	s0 =	simm.s32 @p2 $0x1  }
0x17: {  	s4 =	simm.s32 $0x1BF5;
	[smem:$0x3FBA] =	sst s0  }
0x18: {  	s0 =	sld [smem:$0x3F9D];
	_ =	swait.ge [sflag:s4], $0x0  }
0x19: {  	s7 =	sld [smem:$0x3F9E]  }
0x1a: {  	s8 =	sadd.s32 $0xFFFFE003, lr  }
0x1b: {  	s9 =	sadd.s32 $0xFFFFFEF7, lr;
	s5 =	simm.s32 $0xFFFFFFFF;
	p2 =	slt.u32 s8, $0xFFFFF086  }
0x1c: {  	p1 =	slt.u32 s9, $0xF7A;
	s5 =	simm.s32 @!p2 $0x0  }
0x1d: {  	s5 =	simm.s32 @p1 $0x1;
	p0 =	seq.s32 s7, s2  }
0x1e: {  	s7 =	smul.u32 @!p0 $0xF7A, s2;
	p2 =	seq.s32 @!p0 s5, $0x0  }
0x1f: {  	s9 =	smul.u32 $0xF7A, s1;
	s8 =	simm.s32 @!p0 $0x1BF5;
	p2 =	por !p2, p0  }
0x20: {  	[sflag:s8] =	ssyncset.s32 @!p0 $0xFFFFF086;
	s6 =	sadd.s32 @!p0 s3, s7;
	s7 =	simm.s32 @!p0 $0x108  }
0x21: {  	s3 =	sadd.s32 s3, s9;
	s6 =	sadd.s32 @!p0 $0x88, s6;
	s7 =	simm.s32 @p2 $0x1082  }
0x22: {  	[simem:s7], [sflag:s8] =	dma.local @!p0 [hbm:s6], $0xF7A  }
0x23: {  	s9 =	sor.u32 $0xD0000000, s2;
	s6 =	simm.s32 $0x108;
	_ =	swait.ge @!p0 [sflag:s8], $0x0  }
0x24: {  	s3 =	sadd.s32 $0x88, s3;
	s6 =	simm.s32 @!p1 $0x1082;
	[sflag:s4] =	ssyncset.s32 $0xFFFFF086  }
0x25: {  	[simem:s6], [sflag:s4] =	dma.local [hbm:s3], $0xF7A  }
0x26: {  	[smem:$0x3F9E] =	sst s1;
	(tag) =	ssettag s2;
	_ =	strace s9  }
0x27: {  	s1 =	sld [smem:$0x3FAE]  }
0x28: {  	s2 =	sld [smem:$0x3FAF]  }
0x29: {  	s4 =	sld [smem:$0x3FB1]  }
0x2a: {  	p0 =	seq.s32 s5, $0x0;
	s5 =	sld [smem:$0x3FB2]  }
0x2b: {  	s6 =	sld [smem:$0x3FB3]  }
0x2c: {  	s7 =	sld [smem:$0x3FB4]  }
0x2d: {  	s3 =	simm.s32 $0x108;
	s8 =	sld [smem:$0x3FB5]  }
0x2e: {  	s3 =	simm.s32 @!p0 $0x1082;
	s9 =	sld [smem:$0x3FB6]  }
0x2f: {  	lr =	sadd.s32 s0, s3;
	s0 =	sld [smem:$0x3FAD]  }
0x30: {  	s3 =	sld [smem:$0x3FB0]  }
0x31: {  	[smem:$0x3FB9] =	sst s10  }
0x32: {  	s10 =	sld [smem:$0x3FB7];
	_ =	sdelay $0x3  }
0x33: {  	p0 =	seq.s32 s10, $0x1;
	s10 =	sld [smem:$0x3FB9];
	_ =	sdelay $0x3  }
0x34: {  	[smem:$0x3FB9] =	sst s10  }
0x35: {  	s10 =	sld [smem:$0x3FB8];
	_ =	sdelay $0x3  }
0x36: {  	p1 =	seq.s32 s10, $0x1;
	s10 =	sld [smem:$0x3FB9];
	_ =	sdelay $0x3  }
0x37: {  	[smem:$0x3FB9] =	sst s10  }
0x38: {  	s10 =	sld [smem:$0x3FBA]  }
0x39: {  	_ = 	snop;
	(pc) =	sbr.ind lr, $3  }
0x3a: {  	_ = 	snop  }
0x3b: {  	_ = 	snop  }
0x3c: {  	p2 =	seq.s32 s10, $0x1;
	s10 =	sld [smem:$0x3FB9]  }
0x3d: {  	_ =	shalt  }
0x3e: {  	_ =	shalt  }
0x3f: {  	_ =	shalt  }
0x40: {  	_ =	shalt  }
0x41: {  	_ =	shalt  }
0x42: {  	_ =	shalt  }
0x43: {  	_ =	shalt  }
0x44: {  	_ =	shalt  }
0x45: {  	_ =	shalt  }
0x46: {  	_ =	shalt  }
0x47: {  	_ =	shalt  }
0x48: {  	_ =	shalt  }
0x49: {  	_ =	shalt  }
0x4a: {  	_ =	shalt  }
0x4b: {  	_ =	shalt  }
0x4c: {  	_ =	shalt  }
0x4d: {  	_ =	shalt  }
0x4e: {  	_ =	shalt  }
0x4f: {  	_ =	shalt  }
0x50: {  	_ =	shalt  }
0x51: {  	_ =	shalt  }
0x52: {  	_ =	shalt  }
0x53: {  	_ =	shalt  }
0x54: {  	_ =	shalt  }
0x55: {  	_ =	shalt  }
0x56: {  	_ =	shalt  }
0x57: {  	_ =	shalt  }
0x58: {  	_ =	shalt  }
0x59: {  	_ =	shalt  }
0x5a: {  	_ =	shalt  }
0x5b: {  	_ =	shalt  }
0x5c: {  	_ =	shalt  }
0x5d: {  	_ =	shalt  }
0x5e: {  	_ =	shalt  }
0x5f: {  	_ =	shalt  }
0x60: {  	_ =	shalt  }
0x61: {  	_ =	shalt  }
0x62: {  	_ =	shalt  }
0x63: {  	_ =	shalt  }
0x64: {  	_ =	shalt  }
0x65: {  	_ =	shalt  }
0x66: {  	_ =	shalt  }
0x67: {  	_ =	shalt  }
0x68: {  	_ =	shalt  }
0x69: {  	_ =	shalt  }
0x6a: {  	_ =	shalt  }
0x6b: {  	_ =	shalt  }
0x6c: {  	_ =	shalt  }
0x6d: {  	_ =	shalt  }
0x6e: {  	_ =	shalt  }
0x6f: {  	_ =	shalt  }
0x70: {  	_ =	shalt  }
0x71: {  	_ =	shalt  }
0x72: {  	_ =	shalt  }
0x73: {  	_ =	shalt  }
0x74: {  	_ =	shalt  }
0x75: {  	_ =	shalt  }
0x76: {  	_ =	shalt  }
0x77: {  	_ =	shalt  }
0x78: {  	_ =	shalt  }
0x79: {  	_ =	shalt  }
0x7a: {  	_ =	shalt  }
0x7b: {  	_ =	shalt  }
0x7c: {  	_ =	shalt  }
0x7d: {  	_ =	shalt  }
0x7e: {  	_ =	shalt  }
0x7f: {  	_ =	shalt  }
0x80: {  	_ =	shalt  }
0x81: {  	_ =	shalt  }
0x82: {  	_ =	shalt  }
0x83: {  	_ =	shalt  }
0x84: {  	_ =	shalt  }
0x85: {  	_ =	shalt  }
0x86: {  	_ =	shalt  }
0x87: {  	_ =	shalt  }
.Lfunc_end0:
.L_simem_size_0:
called_computation_lowered:
.L_overlay_start_0:
0x88: {  	s2 =	sld [smem:$0x3FD9]  }
0x89: {  	s3 =	sld [smem:$0x3FFE];
	_ =	sdelay $0x1  }
0x8a: {  	s1 =	srdreg.scid  }
0x8b: {  	s0 =	sand.u32 $0x1, s1  }
0x8c: {  	s17 =	sshll.u32 s0, $0xA;
	s2 =	sadd.s32 s3, s2  }
0x8d: {  	s2 =	sadd.s32 s2, s17  }
0x8e: {  	[smem:$0x3FC5] =	sst s2  }
0x8f: {  	_ = 	snop  }
0x90: {  	s2 =	sld [smem:$0x3FD0];
	(tm) =	ssettm $0x1  }
0x91: {  	s18 =	sld [smem:$0x3FFB];
	_ =	sdelay $0x3  }
0x92: {  	_ =	strace s18  }
0x93: {  	s3 =	sld [smem:$0x3FFC];
	_ =	sdelay $0x3  }
0x94: {  	_ =	strace s3  }
0x95: {  	s3 =	sld [smem:$0x3FFD];
	_ =	sdelay $0x3  }
0x96: {  	_ =	strace s3  }
0x97: {  	_ =	strace $0x8FFFFFFF  }
0x98: {  	s19 =	sld [smem:$0x3FDB];
	_ =	sdelay $0x1  }
0x99: {  	s4 =	simm.s32 $_scs_section_size  }
0x9a: {  	s5 =	simm.s32 $_size__tile_overlayer_lowered;
	s6 =	simm.s32 $_tile_overlayer_lowered  }
0x9b: {  	s22 =	simm.s32 $0x1BFF;
	s21 =	sshll.u32 s6, $0x1;
	s3 =	sadd.s32 s4, s19  }
0x9c: {  	s7 =	simm.s32 $0x0;
	s20 =	sshll.u32 s5, $0x1;
	s5 =	sadd.s32 s21, s3  }
0x9d: {  	[timem:s7], [sflag:s22] =	dma.local [hbm:s5], s20  }
0x9e: {  	_ =	swait.ge [sflag:s22], s20  }
0x9f: {  	s4 =	ssub.s32 $0x0, s20;
	[sflag:s22] =	ssyncset.done $0x0  }
0xa0: {  	[sflag:s22] =	ssyncadd.s32 s4;
	_ =	sdelay $0x1  }
0xa1: {  	s23 =	simm.s32 $0x1B8B  }
0xa2: {  	_ =	swait.ge [sflag:s23], $0x1  }
0xa3: {  	[sflag:s23] =	ssyncset.done $0x0  }
0xa4: {  	s25 =	simm.s32 $0x1B8E;
	s24 =	sld [smem:$0x3FFE];
	[sflag:s23] =	ssyncadd.s32 $0xFFFFFFFF  }
0xa5: {  	s26 =	simm.s32 $execute0_lowered;
	[smem:$0x3FD2] =	sst s25  }
0xa6: {  	s5 =	sshll.u32 s26, $0x1;
	_ =	strace $0x80000046;
	[dreg:$0x1] =	wrdreg $0xFFFFFFFF  }
0xa7: {  	s28 =	simm.s32 $_size_execute0_lowered;
	s3 =	sadd.s32 s3, s5;
	[dreg:$0x0] =	wrdreg $0x0  }
0xa8: {  	s5 =	sshll.u32 s28, $0x1;
	[dreg:$0x2] =	wrdreg s3  }
0xa9: {  	[dreg:$0x3] =	wrdreg s5  }
0xaa: {  	[dreg:$0x4] =	wrdreg $0xC0  }
0xab: {  	_ =	task [dreg:s7], $0x5FFFF  }
0xac: {  	[dreg:$0x1] =	wrdreg $0xFFFFFFFF  }
0xad: {  	[dreg:$0x0] =	wrdreg $0x60  }
0xae: {  	[dreg:$0x2] =	wrdreg s24  }
0xaf: {  	[dreg:$0x3] =	wrdreg s2  }
0xb0: {  	[dreg:$0x4] =	wrdreg $0x9  }
0xb1: {  	_ =	task.clear_ibuf [dreg:s7], $0x5FFFF;
	_ =	strace $0x90000046  }
0xb2: {  	s29 =	simm.s32 $0x9;
	_ =	strace $0x80000048  }
0xb3: {  	_ =	swait.ge [sflag:s29], $0x1  }
0xb4: {  	[sflag:s29] =	ssyncadd.s32 $0xFFFFFFFF  }
0xb5: {  	_ =	strace $0x90000048  }
0xb6: {  	_ =	sfence  }
0xb7: {  	s30 =	sld [smem:$0x0];
	_ =	sdelay $0x2  }
0xb8: {  	s31 =	sshll.u32 s1, $0xD;
	s1 =	sshrl.u32 s1, $0x2  }
0xb9: {  	s3 =	sand.u32 $0x4000, s31;
	s1 =	sadd.s32 s1, s30  }
0xba: {  	s0 =	sor.u32 s3, s0;
	s1 =	sshll.u32 s1, $0x11  }
0xbb: {  	s0 =	sor.u32 s1, s0  }
0xbc: {  	s0 =	sadd.s32 $0x8F2B, s0  }
0xbd: {  	[sflag:s0] =	ssyncadd.remote.s32 $0x1  }
0xbe: {  	_ =	sfence.sel $0xFFFF  }
0xbf: {  	[dreg:$0x0] =	wrdreg $0xFFFFFFFF;
	(pc) =	sbr.abs _section_cstart, $3  }
0xc0: {  	[dreg:$0x1] =	wrdreg $0xFFFFFFFF  }
0xc1: {  	_ =	task.clear_ibuf [dreg:s7], $0x2FFFF;
	_ =	strace $0x9FFFFFFF  }
0xc2: {  	(tm) =	ssettm $0x7FFFFFFF  }
0xc3: {  	_ =	shalt  }
tec
execute0_lowered:
.L_overlay_start_1:
0x0: {  	(tag) =	ssettag $0x1  }
0x1: {  	s0 =	rddreg [dreg:$0x0]  }
0x2: {  	s12 =	rddreg [dreg:$0x1];
	s3 =	simm.s32 $0x0  }
0x3: {  	s1 =	srdreg.scid;
	s2 =	stileid.u32;
	s17 =	simm.s32 $0x200  }
0x4: {  	s18 =	simm.s32 $0x400;
	s13 =	simm.s32 $0x12000;
	s15 =	simm.s32 $0x1  }
0x5: {  	s16 =	simm.s32 $0x3;
	s20 =	simm.s32 $0x2;
	s21 =	simm.s32 $0x4  }
0x6: {  	s22 =	simm.s32 $0x14000;
	s23 =	simm.s32 $0x6;
	[smem:$0x7FF] =	sst s3  }
0x7: {  	s1 =	sand.u32 $0x1, s1;
	s2 =	sshll.u32 s2, $0x1;
	s4 =	sadd.s32 $0x142E00, s0  }
0x8: {  	s9 =	sadd.s32 $0x143000, s0;
	s10 =	sadd.s32 $0x2A40, s0;
	s11 =	sadd.s32 $0x143100, s0  }
0x9: {  	s14 =	sadd.s32 $0x40, s12;
	s12 =	simm.s32 $0x10800;
	s2 =	sor.u32 s1, s2  }
0xa: {  	_ =	strace $0x80000047;
	s1 =	ssub.s32 $0x2, s1;
	s5 =	sshll.u32 s2, $0x9  }
0xb: {  	s8 =	sshll.u32 s2, $0x10;
	s7 =	sadd.s32 s5, s0;
	s5 =	sadd.s32 $0x2A00, s0  }
.Ltmp0:
0xc: {  	s2 =	sand.u32 $0x30000, s8;
	s28 =	sadd.s32 $0x42A00, s7;
	(pc) =	sbr.rel .LBB2_1-.Ltmp0, $4  }
0xd: {  	s6 =	sshrl.u32 s1, $0x1;
	s29 =	sadd.s32 s5, s2;
	[dreg:$0x3] =	wrdreg s28  }
0xe: {  	v2 =	vlaneseq.u32;
	s1 =	ssub.s32 s1, s6;
	s30 =	sadd.s32 s2, s10;
	[dreg:$0x4] =	wrdreg s29  }
0xf: {  	vm0 =	vmmov $0xffff;
	v1 =	vshrl.u32 v2, $0x3;
	s7 =	sadd.s32 $0x142F00, s0;
	s31 =	smax.u32 s1, $0x1;
	[dreg:$0x5] =	wrdreg s30  }
0x10: {  	v0 =	vand.u32 $0x7, v2;
	v2 =	vor.u32 $0x8, v2;
	v1 =	vmul.u32 $0x8, v1;
	s2 =	simm.s32 $0x13000;
	s1 =	simm.s32 $0x0;
	[dreg:$0x6] =	wrdreg s31  }
.LBB2_8:
0x11: {  	s0 =	simm.s32 $0x5  }
0x12: {  	_ =	swait.ge [sflag:s0], $0x1000  }
0x13: {  	[sflag:s0] =	ssyncset.done $0x0  }
0x14: {  	[sflag:s0] =	ssyncadd.s32 $0xFFFFF000  }
0x15: {  	_ =	swait.ge [sflag:s23], $0x1000  }
0x16: {  	s1 =	rddreg [dreg:$0x7]  }
0x17: {  	s31 =	rddreg [dreg:$0x6];
	s1 =	sadd.s32 $0x1, s1  }
0x18: {  	p0 =	sne.s32 s1, s31  }
.Ltmp1:
0x19: {  	_ = 	snop;
	(pc) =	sbr.rel @!p0 .LBB2_9-.Ltmp1, $3  }
0x1a: {  	_ =	sdelay $0x1  }
0x1b: {  	[sflag:s23] =	ssyncset.done $0x0  }
0x1c: {  	[sflag:s23] =	ssyncadd.s32 $0xFFFFF000  }
.LBB2_1:
0x1d: {  	[dreg:$0x7] =	wrdreg s1  }
0x1e: {  	s0 =	rddreg [dreg:$0x3];
	s26 =	simm.s32 $0x7  }
0x1f: {  	[tilespmem:s3], [sflag:$0x7] =	stream.linear.gather [hbm4b:s0+s3], $0x1000, $0x38;
	[tilespmem:$0x15000] =	vst v63  }
0x20: {  	_ =	swait.ge [sflag:s26], $0x1000  }
0x21: {  	[sflag:s26] =	ssyncset.done $0x0  }
0x22: {  	[sflag:s26] =	ssyncadd.s32 $0xFFFFF000  }
0x23: {  	v3 =	vld [tilespmem:$0x0];
	_ =	sdelay $0x4  }
0x24: {  	v4 =	vshll.u32 v3, $0x3  }
0x25: {  	v3 =	vand.u32 $0x7, v3;
	v4 =	vand.u32 $0xFFFFFFC0, v4  }
0x26: {  	v3 =	vor.u32 v3, v4  }
0x27: {  	v4 =	vperm.xlane v3, v0;
	_ =	sdelay $0x1  }
0x28: {  	v4 =	vadd.s32 v1, v4;
	_ =	sdelay $0x3  }
0x29: {  	s28 =	simm.s32 $0x1000  }
0x2a: {  	[tilespmem:s28], [sflag:$0x1] =	stream.indirect_vreg.gather [hbm4b:s4+s3], $0x80, v4, vm0, $0xb8;
	[tilespmem:$0x15000] =	vst v63  }
0x2b: {  	s29 =	simm.s32 $0x1800;
	v3 =	vperm.xlane v3, v2  }
0x2c: {  	[tilespmem:s29], [sflag:$0x1] =	stream.indirect_vreg.gather [hbm4b:s7+s3], $0x80, v4, vm0, $0xb8;
	[tilespmem:$0x15000] =	vst v63  }
0x2d: {  	s30 =	simm.s32 $0x2000;
	v3 =	vadd.s32 v1, v3  }
0x2e: {  	[tilespmem:s30], [sflag:$0x1] =	stream.indirect_vreg.gather [hbm4b:s9+s3], $0x80, v4, vm0, $0xb8;
	[tilespmem:$0x15000] =	vst v63  }
0x2f: {  	s31 =	simm.s32 $0x2800  }
0x30: {  	[tilespmem:s31], [sflag:$0x1] =	stream.indirect_vreg.gather [hbm4b:s11+s3], $0x80, v4, vm0, $0xb8;
	[tilespmem:$0x15000] =	vst v63  }
0x31: {  	s1 =	simm.s32 $0x3000  }
0x32: {  	[tilespmem:s1], [sflag:$0x1] =	stream.indirect_vreg.gather [hbm4b:s4+s3], $0x80, v3, vm0, $0xb8;
	[tilespmem:$0x15000] =	vst v63  }
0x33: {  	s6 =	simm.s32 $0x3800  }
0x34: {  	[tilespmem:s6], [sflag:$0x1] =	stream.indirect_vreg.gather [hbm4b:s7+s3], $0x80, v3, vm0, $0xb8;
	[tilespmem:$0x15000] =	vst v63  }
0x35: {  	s19 =	simm.s32 $0x4000  }
0x36: {  	[tilespmem:s19], [sflag:$0x1] =	stream.indirect_vreg.gather [hbm4b:s9+s3], $0x80, v3, vm0, $0xb8;
	[tilespmem:$0x15000] =	vst v63  }
0x37: {  	s24 =	simm.s32 $0x4800  }
0x38: {  	[tilespmem:s24], [sflag:$0x1] =	stream.indirect_vreg.gather [hbm4b:s11+s3], $0x80, v3, vm0, $0xb8;
	[tilespmem:$0x15000] =	vst v63  }
0x39: {  	v3 =	vld [tilespmem:$0x10];
	_ =	sdelay $0x4  }
0x3a: {  	v61 =	vshll.u32 v3, $0x3  }
0x3b: {  	v3 =	vand.u32 $0x7, v3;
	v4 =	vand.u32 $0xFFFFFFC0, v61  }
0x3c: {  	v3 =	vor.u32 v3, v4  }
0x3d: {  	v4 =	vperm.xlane v3, v0;
	_ =	sdelay $0x1  }
0x3e: {  	v4 =	vadd.s32 v1, v4;
	_ =	sdelay $0x3  }
0x3f: {  	s25 =	simm.s32 $0x5000  }
0x40: {  	[tilespmem:s25], [sflag:$0x1] =	stream.indirect_vreg.gather [hbm4b:s4+s3], $0x80, v4, vm0, $0xb8;
	[tilespmem:$0x15000] =	vst v63  }
0x41: {  	s26 =	simm.s32 $0x5800;
	v3 =	vperm.xlane v3, v2  }
0x42: {  	[tilespmem:s26], [sflag:$0x1] =	stream.indirect_vreg.gather [hbm4b:s7+s3], $0x80, v4, vm0, $0xb8;
	[tilespmem:$0x15000] =	vst v63  }
0x43: {  	s28 =	simm.s32 $0x6000;
	v3 =	vadd.s32 v1, v3  }
0x44: {  	[tilespmem:s28], [sflag:$0x1] =	stream.indirect_vreg.gather [hbm4b:s9+s3], $0x80, v4, vm0, $0xb8;
	[tilespmem:$0x15000] =	vst v63  }
0x45: {  	s29 =	simm.s32 $0x6800  }
0x46: {  	[tilespmem:s29], [sflag:$0x1] =	stream.indirect_vreg.gather [hbm4b:s11+s3], $0x80, v4, vm0, $0xb8;
	[tilespmem:$0x15000] =	vst v63  }
0x47: {  	s30 =	simm.s32 $0x7000  }
0x48: {  	[tilespmem:s30], [sflag:$0x1] =	stream.indirect_vreg.gather [hbm4b:s4+s3], $0x80, v3, vm0, $0xb8;
	[tilespmem:$0x15000] =	vst v63  }
0x49: {  	s31 =	simm.s32 $0x7800  }
0x4a: {  	[tilespmem:s31], [sflag:$0x1] =	stream.indirect_vreg.gather [hbm4b:s7+s3], $0x80, v3, vm0, $0xb8;
	[tilespmem:$0x15000] =	vst v63  }
0x4b: {  	s1 =	simm.s32 $0x8000  }
0x4c: {  	[tilespmem:s1], [sflag:$0x1] =	stream.indirect_vreg.gather [hbm4b:s9+s3], $0x80, v3, vm0, $0xb8;
	[tilespmem:$0x15000] =	vst v63  }
0x4d: {  	s6 =	simm.s32 $0x8800  }
0x4e: {  	[tilespmem:s6], [sflag:$0x1] =	stream.indirect_vreg.gather [hbm4b:s11+s3], $0x80, v3, vm0, $0xb8;
	[tilespmem:$0x15000] =	vst v63  }
0x4f: {  	s19 =	rddreg [dreg:$0x4];
	s24 =	simm.s32 $0x11000  }
0x50: {  	[tilespmem:s24], [sflag:$0x3] =	stream.strided.gather [hbm4b:s19+s17], $0x1000, s18, s17, $0x38;
	[tilespmem:$0x15000] =	vst v63  }
0x51: {  	v3 =	vld [tilespmem:$0x20];
	_ =	sdelay $0x4  }
0x52: {  	v62 =	vshll.u32 v3, $0x3  }
0x53: {  	v3 =	vand.u32 $0x7, v3;
	v4 =	vand.u32 $0xFFFFFFC0, v62  }
0x54: {  	v3 =	vor.u32 v3, v4  }
0x55: {  	v4 =	vperm.xlane v3, v0;
	_ =	sdelay $0x1  }
0x56: {  	v4 =	vadd.s32 v1, v4;
	_ =	sdelay $0x3  }
0x57: {  	s25 =	simm.s32 $0x9000  }
0x58: {  	[tilespmem:s25], [sflag:$0x2] =	stream.indirect_vreg.gather [hbm4b:s4+s3], $0x80, v4, vm0, $0xb8;
	[tilespmem:$0x15000] =	vst v63  }
0x59: {  	s26 =	simm.s32 $0x9800;
	v3 =	vperm.xlane v3, v2  }
0x5a: {  	[tilespmem:s26], [sflag:$0x2] =	stream.indirect_vreg.gather [hbm4b:s7+s3], $0x80, v4, vm0, $0xb8;
	[tilespmem:$0x15000] =	vst v63  }
0x5b: {  	s28 =	simm.s32 $0xA000;
	v3 =	vadd.s32 v1, v3  }
0x5c: {  	[tilespmem:s28], [sflag:$0x2] =	stream.indirect_vreg.gather [hbm4b:s9+s3], $0x80, v4, vm0, $0xb8;
	[tilespmem:$0x15000] =	vst v63  }
0x5d: {  	s29 =	simm.s32 $0xA800  }
0x5e: {  	[tilespmem:s29], [sflag:$0x2] =	stream.indirect_vreg.gather [hbm4b:s11+s3], $0x80, v4, vm0, $0xb8;
	[tilespmem:$0x15000] =	vst v63  }
0x5f: {  	s30 =	simm.s32 $0xB000  }
0x60: {  	[tilespmem:s30], [sflag:$0x2] =	stream.indirect_vreg.gather [hbm4b:s4+s3], $0x80, v3, vm0, $0xb8;
	[tilespmem:$0x15000] =	vst v63  }
0x61: {  	s31 =	simm.s32 $0xB800  }
0x62: {  	[tilespmem:s31], [sflag:$0x2] =	stream.indirect_vreg.gather [hbm4b:s7+s3], $0x80, v3, vm0, $0xb8;
	[tilespmem:$0x15000] =	vst v63  }
0x63: {  	s1 =	simm.s32 $0xC000  }
0x64: {  	[tilespmem:s1], [sflag:$0x2] =	stream.indirect_vreg.gather [hbm4b:s9+s3], $0x80, v3, vm0, $0xb8;
	[tilespmem:$0x15000] =	vst v63  }
0x65: {  	s6 =	simm.s32 $0xC800  }
0x66: {  	[tilespmem:s6], [sflag:$0x2] =	stream.indirect_vreg.gather [hbm4b:s11+s3], $0x80, v3, vm0, $0xb8;
	[tilespmem:$0x15000] =	vst v63  }
0x67: {  	v3 =	vld [tilespmem:$0x30];
	_ =	sdelay $0x4  }
0x68: {  	v63 =	vshll.u32 v3, $0x3  }
0x69: {  	v3 =	vand.u32 $0x7, v3;
	v4 =	vand.u32 $0xFFFFFFC0, v63  }
0x6a: {  	v3 =	vor.u32 v3, v4  }
0x6b: {  	v4 =	vperm.xlane v3, v0;
	_ =	sdelay $0x1  }
0x6c: {  	v4 =	vadd.s32 v1, v4;
	_ =	sdelay $0x3  }
0x6d: {  	s19 =	simm.s32 $0xD000  }
0x6e: {  	[tilespmem:s19], [sflag:$0x2] =	stream.indirect_vreg.gather [hbm4b:s4+s3], $0x80, v4, vm0, $0xb8;
	[tilespmem:$0x15000] =	vst v63  }
0x6f: {  	s24 =	simm.s32 $0xD800;
	v3 =	vperm.xlane v3, v2  }
0x70: {  	[tilespmem:s24], [sflag:$0x2] =	stream.indirect_vreg.gather [hbm4b:s7+s3], $0x80, v4, vm0, $0xb8;
	[tilespmem:$0x15000] =	vst v63  }
0x71: {  	s25 =	simm.s32 $0xE000;
	v3 =	vadd.s32 v1, v3  }
0x72: {  	[tilespmem:s25], [sflag:$0x2] =	stream.indirect_vreg.gather [hbm4b:s9+s3], $0x80, v4, vm0, $0xb8;
	[tilespmem:$0x15000] =	vst v63  }
0x73: {  	s26 =	simm.s32 $0xE800  }
0x74: {  	[tilespmem:s26], [sflag:$0x2] =	stream.indirect_vreg.gather [hbm4b:s11+s3], $0x80, v4, vm0, $0xb8;
	[tilespmem:$0x15000] =	vst v63  }
0x75: {  	s28 =	simm.s32 $0xF000  }
0x76: {  	[tilespmem:s28], [sflag:$0x2] =	stream.indirect_vreg.gather [hbm4b:s4+s3], $0x80, v3, vm0, $0xb8;
	[tilespmem:$0x15000] =	vst v63  }
0x77: {  	s29 =	simm.s32 $0xF800  }
0x78: {  	[tilespmem:s29], [sflag:$0x2] =	stream.indirect_vreg.gather [hbm4b:s7+s3], $0x80, v3, vm0, $0xb8;
	[tilespmem:$0x15000] =	vst v63  }
0x79: {  	s30 =	simm.s32 $0x10000  }
0x7a: {  	[tilespmem:s30], [sflag:$0x2] =	stream.indirect_vreg.gather [hbm4b:s9+s3], $0x80, v3, vm0, $0xb8;
	[tilespmem:$0x15000] =	vst v63  }
0x7b: {  	_ = 	snop  }
0x7c: {  	[tilespmem:s12], [sflag:$0x2] =	stream.indirect_vreg.gather [hbm4b:s11+s3], $0x80, v3, vm0, $0xb8;
	[tilespmem:$0x15000] =	vst v63  }
0x7d: {  	s31 =	rddreg [dreg:$0x5];
	s24 =	simm.s32 $0x0  }
0x7e: {  	[tilespmem:s13], [sflag:$0x4] =	stream.strided.gather [hbm4b:s31+s17], $0x1000, s18, s17, $0x38;
	[tilespmem:$0x15000] =	vst v63  }
.LBB2_2:
0x7f: {  	p0 =	seq.s32 s24, $0x0  }
0x80: {  	s0 =	simm.s32 @!p0 $0x5  }
0x81: {  	_ =	swait.ge @!p0 [sflag:s0], $0x1000  }
0x82: {  	[sflag:s0] =	ssyncset.done @!p0 $0x0  }
0x83: {  	[sflag:s0] =	ssyncadd.s32 @!p0 $0xFFFFF000  }
0x84: {  	_ =	swait.ge [sflag:s15], $0x8000  }
0x85: {  	[sflag:s15] =	ssyncset.done $0x0  }
0x86: {  	s29 =	simm.s32 $0x0;
	[sflag:s15] =	ssyncadd.s32 $0xFFFF8000  }
0x87: {  	s1 =	simm.s32 $0x0;
	s19 =	simm.s32 $0x0;
	_ =	swait.ge [sflag:s16], $0x1000  }
0x88: {  	s1 =	sand.u32 $0xFFFFFE00, s1;
	s0 =	sand.u32 $0x70, s29;
	[sflag:s16] =	ssyncset.done $0x0  }
0x89: {  	s19 =	sand.u32 $0x3FFFFC00, s19;
	s26 =	sor.u32 s0, s1;
	[sflag:s16] =	ssyncadd.s32 $0xFFFFF000  }
0x8a: {  	s0 =	sor.u32 s0, s19;
	v3 =	vld [tilespmem:s26+$0x11000]  }
0x8b: {  	v4 =	vld [tilespmem:s0+$0x1000];
	_ =	sdelay $0x1  }
0x8c: {  	v5 =	vld [tilespmem:s0+$0x1080];
	_ =	sdelay $0x1  }
0x8d: {  	v6 =	vld [tilespmem:s0+$0x1100]  }
0x8e: {  	v3 =	vadd.f32 v4, v3  }
0x8f: {  	v4 =	vld [tilespmem:s0+$0x1180]  }
0x90: {  	v3 =	vadd.f32 v5, v3  }
0x91: {  	v5 =	vld [tilespmem:s0+$0x1200]  }
0x92: {  	v3 =	vadd.f32 v6, v3  }
0x93: {  	v57 =	vld [tilespmem:s0+$0x1280]  }
0x94: {  	v3 =	vadd.f32 v4, v3  }
0x95: {  	v4 =	vld [tilespmem:s0+$0x1300]  }
0x96: {  	v3 =	vadd.f32 v5, v3  }
0x97: {  	v5 =	vld [tilespmem:s0+$0x1380]  }
0x98: {  	v3 =	vadd.f32 v57, v3;
	_ =	sdelay $0x1  }
0x99: {  	v3 =	vadd.f32 v4, v3;
	_ =	sdelay $0x1  }
0x9a: {  	v3 =	vadd.f32 v5, v3;
	_ =	sdelay $0x1  }
0x9b: {  	[tilespmem:s26+$0x13000] =	vst v3;
	v3 =	vld [tilespmem:s26+$0x11080]  }
0x9c: {  	v4 =	vld [tilespmem:s0+$0x3000];
	_ =	sdelay $0x1  }
0x9d: {  	v5 =	vld [tilespmem:s0+$0x3080];
	_ =	sdelay $0x1  }
0x9e: {  	v58 =	vld [tilespmem:s0+$0x3100]  }
0x9f: {  	v3 =	vadd.f32 v4, v3  }
0xa0: {  	v4 =	vld [tilespmem:s0+$0x3180]  }
0xa1: {  	v3 =	vadd.f32 v5, v3  }
0xa2: {  	v5 =	vld [tilespmem:s0+$0x3200]  }
0xa3: {  	v3 =	vadd.f32 v58, v3  }
0xa4: {  	v59 =	vld [tilespmem:s0+$0x3280]  }
0xa5: {  	v3 =	vadd.f32 v4, v3  }
0xa6: {  	v4 =	vld [tilespmem:s0+$0x3300]  }
0xa7: {  	v3 =	vadd.f32 v5, v3  }
0xa8: {  	v5 =	vld [tilespmem:s0+$0x3380]  }
0xa9: {  	v3 =	vadd.f32 v59, v3;
	_ =	sdelay $0x1  }
0xaa: {  	v3 =	vadd.f32 v4, v3;
	_ =	sdelay $0x1  }
0xab: {  	v3 =	vadd.f32 v5, v3;
	_ =	sdelay $0x1  }
0xac: {  	[tilespmem:s26+$0x13080] =	vst v3;
	v3 =	vld [tilespmem:s26+$0x11100]  }
0xad: {  	v4 =	vld [tilespmem:s0+$0x5000];
	_ =	sdelay $0x1  }
0xae: {  	v5 =	vld [tilespmem:s0+$0x5080];
	_ =	sdelay $0x1  }
0xaf: {  	v60 =	vld [tilespmem:s0+$0x5100]  }
0xb0: {  	v3 =	vadd.f32 v4, v3  }
0xb1: {  	v4 =	vld [tilespmem:s0+$0x5180]  }
0xb2: {  	v3 =	vadd.f32 v5, v3  }
0xb3: {  	v5 =	vld [tilespmem:s0+$0x5200]  }
0xb4: {  	v3 =	vadd.f32 v60, v3  }
0xb5: {  	v61 =	vld [tilespmem:s0+$0x5280]  }
0xb6: {  	v3 =	vadd.f32 v4, v3  }
0xb7: {  	v4 =	vld [tilespmem:s0+$0x5300]  }
0xb8: {  	v3 =	vadd.f32 v5, v3  }
0xb9: {  	v5 =	vld [tilespmem:s0+$0x5380]  }
0xba: {  	v3 =	vadd.f32 v61, v3;
	_ =	sdelay $0x1  }
0xbb: {  	v3 =	vadd.f32 v4, v3;
	_ =	sdelay $0x1  }
0xbc: {  	v3 =	vadd.f32 v5, v3;
	_ =	sdelay $0x1  }
0xbd: {  	[tilespmem:s26+$0x13100] =	vst v3;
	v3 =	vld [tilespmem:s26+$0x11180]  }
0xbe: {  	v4 =	vld [tilespmem:s0+$0x7000];
	_ =	sdelay $0x1  }
0xbf: {  	v5 =	vld [tilespmem:s0+$0x7080];
	_ =	sdelay $0x1  }
0xc0: {  	v62 =	vld [tilespmem:s0+$0x7100]  }
0xc1: {  	v3 =	vadd.f32 v4, v3  }
0xc2: {  	v4 =	vld [tilespmem:s0+$0x7180]  }
0xc3: {  	v3 =	vadd.f32 v5, v3  }
0xc4: {  	v5 =	vld [tilespmem:s0+$0x7200]  }
0xc5: {  	v3 =	vadd.f32 v62, v3  }
0xc6: {  	v63 =	vld [tilespmem:s0+$0x7280]  }
0xc7: {  	v3 =	vadd.f32 v4, v3  }
0xc8: {  	v4 =	vld [tilespmem:s0+$0x7300]  }
0xc9: {  	v3 =	vadd.f32 v5, v3  }
0xca: {  	v5 =	vld [tilespmem:s0+$0x7380]  }
0xcb: {  	v3 =	vadd.f32 v63, v3;
	_ =	sdelay $0x1  }
0xcc: {  	s25 =	sshll.u32 s24, $0x1;
	s28 =	simm.s32 $0x10;
	v3 =	vadd.f32 v4, v3  }
0xcd: {  	s31 =	simm.s32 $0x40;
	s29 =	simm.s32 $0x80;
	s1 =	sand.u32 $0x70, s28  }
0xce: {  	s19 =	sand.u32 $0xFFFFFE00, s31;
	s30 =	sand.u32 $0x3FFFFC00, s29;
	s0 =	simm.s32 $0x2;
	v3 =	vadd.f32 v5, v3  }
.LBB2_3:
0xcf: {  	s19 =	sor.u32 s1, s19  }
0xd0: {  	s31 =	sor.u32 s1, s30;
	s30 =	smov.u32 s0;
	s29 =	sadd.s32 $0x1, s0  }
0xd1: {  	p0 =	sne.s32 s0, $0x3F;
	v4 =	vld [tilespmem:s19+$0x11000];
	[tilespmem:s26+$0x13180] =	vst v3;
	s26 =	smov.u32 s19  }
0xd2: {  	v3 =	vld [tilespmem:s31+$0x1000]  }
0xd3: {  	v5 =	vld [tilespmem:s31+$0x1080];
	_ =	sdelay $0x1  }
0xd4: {  	v6 =	vld [tilespmem:s31+$0x1100];
	_ =	sdelay $0x1  }
0xd5: {  	v3 =	vadd.f32 v3, v4;
	v4 =	vld [tilespmem:s31+$0x1180];
	_ =	sdelay $0x1  }
0xd6: {  	v3 =	vadd.f32 v5, v3;
	v5 =	vld [tilespmem:s31+$0x1200];
	_ =	sdelay $0x1  }
0xd7: {  	v3 =	vadd.f32 v6, v3;
	v6 =	vld [tilespmem:s31+$0x1280];
	_ =	sdelay $0x1  }
0xd8: {  	v3 =	vadd.f32 v4, v3;
	v4 =	vld [tilespmem:s31+$0x1300];
	_ =	sdelay $0x1  }
0xd9: {  	v3 =	vadd.f32 v5, v3;
	v5 =	vld [tilespmem:s31+$0x1380];
	_ =	sdelay $0x1  }
0xda: {  	v3 =	vadd.f32 v6, v3;
	_ =	sdelay $0x1  }
0xdb: {  	v3 =	vadd.f32 v4, v3;
	_ =	sdelay $0x1  }
0xdc: {  	v3 =	vadd.f32 v5, v3;
	_ =	sdelay $0x1  }
0xdd: {  	[tilespmem:s26+$0x13000] =	vst v3;
	v3 =	vld [tilespmem:s26+$0x11080]  }
0xde: {  	v4 =	vld [tilespmem:s31+$0x3000]  }
0xdf: {  	v5 =	vld [tilespmem:s31+$0x3080];
	_ =	sdelay $0x1  }
0xe0: {  	v6 =	vld [tilespmem:s31+$0x3100];
	_ =	sdelay $0x1  }
0xe1: {  	v3 =	vadd.f32 v4, v3;
	v4 =	vld [tilespmem:s31+$0x3180];
	_ =	sdelay $0x1  }
0xe2: {  	v3 =	vadd.f32 v5, v3;
	v5 =	vld [tilespmem:s31+$0x3200];
	_ =	sdelay $0x1  }
0xe3: {  	v3 =	vadd.f32 v6, v3;
	v6 =	vld [tilespmem:s31+$0x3280];
	_ =	sdelay $0x1  }
0xe4: {  	v3 =	vadd.f32 v4, v3;
	v4 =	vld [tilespmem:s31+$0x3300];
	_ =	sdelay $0x1  }
0xe5: {  	v3 =	vadd.f32 v5, v3;
	v5 =	vld [tilespmem:s31+$0x3380];
	_ =	sdelay $0x1  }
0xe6: {  	v3 =	vadd.f32 v6, v3;
	_ =	sdelay $0x1  }
0xe7: {  	v3 =	vadd.f32 v4, v3;
	_ =	sdelay $0x1  }
0xe8: {  	v3 =	vadd.f32 v5, v3;
	_ =	sdelay $0x1  }
0xe9: {  	[tilespmem:s26+$0x13080] =	vst v3;
	v3 =	vld [tilespmem:s26+$0x11100]  }
0xea: {  	v4 =	vld [tilespmem:s31+$0x5000]  }
0xeb: {  	v5 =	vld [tilespmem:s31+$0x5080];
	_ =	sdelay $0x1  }
0xec: {  	v6 =	vld [tilespmem:s31+$0x5100];
	_ =	sdelay $0x1  }
0xed: {  	v3 =	vadd.f32 v4, v3;
	v4 =	vld [tilespmem:s31+$0x5180];
	_ =	sdelay $0x1  }
0xee: {  	v3 =	vadd.f32 v5, v3;
	v5 =	vld [tilespmem:s31+$0x5200];
	_ =	sdelay $0x1  }
0xef: {  	v3 =	vadd.f32 v6, v3;
	v6 =	vld [tilespmem:s31+$0x5280];
	_ =	sdelay $0x1  }
0xf0: {  	v3 =	vadd.f32 v4, v3;
	v4 =	vld [tilespmem:s31+$0x5300];
	_ =	sdelay $0x1  }
0xf1: {  	v3 =	vadd.f32 v5, v3;
	v5 =	vld [tilespmem:s31+$0x5380];
	_ =	sdelay $0x1  }
0xf2: {  	v3 =	vadd.f32 v6, v3;
	_ =	sdelay $0x1  }
0xf3: {  	v3 =	vadd.f32 v4, v3;
	_ =	sdelay $0x1  }
0xf4: {  	v3 =	vadd.f32 v5, v3;
	_ =	sdelay $0x1  }
0xf5: {  	[tilespmem:s26+$0x13100] =	vst v3;
	v3 =	vld [tilespmem:s26+$0x11180]  }
0xf6: {  	v4 =	vld [tilespmem:s31+$0x7000]  }
0xf7: {  	v5 =	vld [tilespmem:s31+$0x7080]  }
0xf8: {  	v6 =	vld [tilespmem:s31+$0x7100]  }
0xf9: {  	v7 =	vld [tilespmem:s31+$0x7180]  }
0xfa: {  	v8 =	vld [tilespmem:s31+$0x7200]  }
0xfb: {  	v3 =	vadd.f32 v4, v3;
	v4 =	vld [tilespmem:s31+$0x7280]  }
0xfc: {  	v9 =	vld [tilespmem:s31+$0x7300]  }
0xfd: {  	v3 =	vadd.f32 v5, v3;
	v5 =	vld [tilespmem:s31+$0x7380];
	_ =	sdelay $0x1  }
0xfe: {  	v3 =	vadd.f32 v6, v3;
	_ =	sdelay $0x1  }
0xff: {  	v3 =	vadd.f32 v7, v3;
	_ =	sdelay $0x1  }
0x100: {  	v3 =	vadd.f32 v8, v3;
	_ =	sdelay $0x1  }
.Ltmp2:
0x101: {  	v3 =	vadd.f32 v4, v3;
	(pc) =	sbr.rel @p0 .LBB2_3-.Ltmp2, $4  }
0x102: {  	_ = 	snop  }
0x103: {  	s28 =	sadd.s32 $0x10, s28;
	v3 =	vadd.f32 v9, v3  }
0x104: {  	s0 =	sshll.u32 s30, $0x6;
	s30 =	sshll.u32 s30, $0x7;
	s1 =	sand.u32 $0x70, s28  }
0x105: {  	s19 =	sand.u32 $0xFFFFFE00, s0;
	s30 =	sand.u32 $0x3FFFFC00, s30;
	s0 =	smov.u32 s29;
	v3 =	vadd.f32 v5, v3  }
0x106: {  	s0 =	sor.u32 s1, s19  }
0x107: {  	s28 =	sor.u32 s1, s30;
	v4 =	vld [tilespmem:s0+$0x11000];
	[tilespmem:s26+$0x13180] =	vst v3  }
0x108: {  	v3 =	vld [tilespmem:s28+$0x1000];
	_ =	sdelay $0x1  }
0x109: {  	v5 =	vld [tilespmem:s28+$0x1080];
	_ =	sdelay $0x1  }
0x10a: {  	v6 =	vld [tilespmem:s28+$0x1100]  }
0x10b: {  	v3 =	vadd.f32 v3, v4  }
0x10c: {  	v4 =	vld [tilespmem:s28+$0x1180]  }
0x10d: {  	v3 =	vadd.f32 v5, v3  }
0x10e: {  	v5 =	vld [tilespmem:s28+$0x1200]  }
0x10f: {  	v3 =	vadd.f32 v6, v3  }
0x110: {  	v49 =	vld [tilespmem:s28+$0x1280]  }
0x111: {  	v3 =	vadd.f32 v4, v3  }
0x112: {  	v4 =	vld [tilespmem:s28+$0x1300]  }
0x113: {  	v3 =	vadd.f32 v5, v3  }
0x114: {  	v5 =	vld [tilespmem:s28+$0x1380]  }
0x115: {  	v3 =	vadd.f32 v49, v3;
	_ =	sdelay $0x1  }
0x116: {  	v3 =	vadd.f32 v4, v3;
	_ =	sdelay $0x1  }
0x117: {  	v3 =	vadd.f32 v5, v3;
	_ =	sdelay $0x1  }
0x118: {  	[tilespmem:s0+$0x13000] =	vst v3;
	v3 =	vld [tilespmem:s0+$0x11080]  }
0x119: {  	v4 =	vld [tilespmem:s28+$0x3000];
	_ =	sdelay $0x1  }
0x11a: {  	v5 =	vld [tilespmem:s28+$0x3080];
	_ =	sdelay $0x1  }
0x11b: {  	v50 =	vld [tilespmem:s28+$0x3100]  }
0x11c: {  	v3 =	vadd.f32 v4, v3  }
0x11d: {  	v4 =	vld [tilespmem:s28+$0x3180]  }
0x11e: {  	v3 =	vadd.f32 v5, v3  }
0x11f: {  	v5 =	vld [tilespmem:s28+$0x3200]  }
0x120: {  	v3 =	vadd.f32 v50, v3  }
0x121: {  	v51 =	vld [tilespmem:s28+$0x3280]  }
0x122: {  	v3 =	vadd.f32 v4, v3  }
0x123: {  	v4 =	vld [tilespmem:s28+$0x3300]  }
0x124: {  	v3 =	vadd.f32 v5, v3  }
0x125: {  	v5 =	vld [tilespmem:s28+$0x3380]  }
0x126: {  	v3 =	vadd.f32 v51, v3;
	_ =	sdelay $0x1  }
0x127: {  	v3 =	vadd.f32 v4, v3;
	_ =	sdelay $0x1  }
0x128: {  	v3 =	vadd.f32 v5, v3;
	_ =	sdelay $0x1  }
0x129: {  	[tilespmem:s0+$0x13080] =	vst v3;
	v3 =	vld [tilespmem:s0+$0x11100]  }
0x12a: {  	v4 =	vld [tilespmem:s28+$0x5000];
	_ =	sdelay $0x1  }
0x12b: {  	v5 =	vld [tilespmem:s28+$0x5080];
	_ =	sdelay $0x1  }
0x12c: {  	v52 =	vld [tilespmem:s28+$0x5100]  }
0x12d: {  	v3 =	vadd.f32 v4, v3  }
0x12e: {  	v4 =	vld [tilespmem:s28+$0x5180]  }
0x12f: {  	v3 =	vadd.f32 v5, v3  }
0x130: {  	v5 =	vld [tilespmem:s28+$0x5200]  }
0x131: {  	v3 =	vadd.f32 v52, v3  }
0x132: {  	v53 =	vld [tilespmem:s28+$0x5280]  }
0x133: {  	v3 =	vadd.f32 v4, v3  }
0x134: {  	v4 =	vld [tilespmem:s28+$0x5300]  }
0x135: {  	v3 =	vadd.f32 v5, v3  }
0x136: {  	v5 =	vld [tilespmem:s28+$0x5380]  }
0x137: {  	v3 =	vadd.f32 v53, v3;
	_ =	sdelay $0x1  }
0x138: {  	v3 =	vadd.f32 v4, v3;
	_ =	sdelay $0x1  }
0x139: {  	v3 =	vadd.f32 v5, v3;
	_ =	sdelay $0x1  }
0x13a: {  	[tilespmem:s0+$0x13100] =	vst v3;
	v3 =	vld [tilespmem:s0+$0x11180]  }
0x13b: {  	v4 =	vld [tilespmem:s28+$0x7000];
	_ =	sdelay $0x1  }
0x13c: {  	v5 =	vld [tilespmem:s28+$0x7080];
	_ =	sdelay $0x1  }
0x13d: {  	v54 =	vld [tilespmem:s28+$0x7100]  }
0x13e: {  	v3 =	vadd.f32 v4, v3  }
0x13f: {  	v4 =	vld [tilespmem:s28+$0x7180]  }
0x140: {  	v3 =	vadd.f32 v5, v3  }
0x141: {  	v5 =	vld [tilespmem:s28+$0x7200]  }
0x142: {  	v3 =	vadd.f32 v54, v3  }
0x143: {  	v55 =	vld [tilespmem:s28+$0x7280]  }
0x144: {  	v3 =	vadd.f32 v4, v3  }
0x145: {  	v4 =	vld [tilespmem:s28+$0x7300]  }
0x146: {  	v3 =	vadd.f32 v5, v3  }
0x147: {  	v5 =	vld [tilespmem:s28+$0x7380]  }
0x148: {  	v3 =	vadd.f32 v55, v3;
	_ =	sdelay $0x1  }
0x149: {  	v3 =	vadd.f32 v4, v3;
	_ =	sdelay $0x1  }
0x14a: {  	s6 =	sshll.u32 s24, $0xA;
	v3 =	vadd.f32 v5, v3  }
0x14b: {  	s19 =	rddreg [dreg:$0x1];
	s26 =	sadd.s32 s8, s6  }
0x14c: {  	p0 =	seq.s32 s24, $0x3F;
	[tilespmem:s0+$0x13180] =	vst v3;
	s0 =	sadd.s32 s19, s26  }
0x14d: {  	[hbm4b:s0+s17] =	stream.strided.scatter [tilespmem:s2], [sflag:$0x5], $0x1000, s18, s17, $0x38;
	[tilespmem:$0x15000] =	vst v63  }
0x14e: {  	s0 =	sadd.s32 @!p0 $0x2, s25  }
0x14f: {  	s1 =	sshll.u32 @!p0 s0, $0x5  }
0x150: {  	s1 =	sand.u32 @!p0 $0x3FFFFFE0, s1  }
0x151: {  	v3 =	vld @!p0 [tilespmem:s1+$0x0];
	_ =	sdelay $0x4  }
0x152: {  	v4 =	vshll.u32 @!p0 v3, $0x3  }
0x153: {  	v5 =	vlaneseq.u32 @!p0;
	v3 =	vand.u32 @!p0 $0x7, v3;
	v4 =	vand.u32 @!p0 $0xFFFFFFC0, v4  }
0x154: {  	v6 =	vshrl.u32 @!p0 v5, $0x3;
	v3 =	vor.u32 @!p0 v3, v4;
	v4 =	vand.u32 @!p0 $0x7, v5  }
0x155: {  	v6 =	vmul.u32 @!p0 $0x8, v6;
	v7 =	vperm.xlane @!p0 v3, v4;
	_ =	sdelay $0x1  }
0x156: {  	v7 =	vadd.s32 @!p0 v6, v7;
	_ =	sdelay $0x3  }
0x157: {  	vm1 =	vmmov @!p0 $0xffff;
	s28 =	simm.s32 @!p0 $0x1000;
	s19 =	simm.s32 @!p0 $0x0  }
0x158: {  	v5 =	vor.u32 @!p0 $0x8, v5;
	[tilespmem:s28], [sflag:$0x1] =	stream.indirect_vreg.gather @!p0 [hbm4b:s4+s19], $0x80, v7, vm1, $0xb8;
	[tilespmem:$0x15000] =	vst v63  }
0x159: {  	v3 =	vperm.xlane @!p0 v3, v5;
	s28 =	simm.s32 @!p0 $0x1800  }
0x15a: {  	[tilespmem:s28], [sflag:$0x1] =	stream.indirect_vreg.gather @!p0 [hbm4b:s7+s19], $0x80, v7, vm1, $0xb8;
	[tilespmem:$0x15000] =	vst v63  }
0x15b: {  	v3 =	vadd.s32 @!p0 v6, v3;
	s28 =	simm.s32 @!p0 $0x2000  }
0x15c: {  	[tilespmem:s28], [sflag:$0x1] =	stream.indirect_vreg.gather @!p0 [hbm4b:s9+s19], $0x80, v7, vm1, $0xb8;
	[tilespmem:$0x15000] =	vst v63  }
0x15d: {  	s28 =	simm.s32 @!p0 $0x2800  }
0x15e: {  	[tilespmem:s28], [sflag:$0x1] =	stream.indirect_vreg.gather @!p0 [hbm4b:s11+s19], $0x80, v7, vm1, $0xb8;
	[tilespmem:$0x15000] =	vst v63  }
0x15f: {  	s28 =	simm.s32 @!p0 $0x3000  }
0x160: {  	[tilespmem:s28], [sflag:$0x1] =	stream.indirect_vreg.gather @!p0 [hbm4b:s4+s19], $0x80, v3, vm1, $0xb8;
	[tilespmem:$0x15000] =	vst v63  }
0x161: {  	s28 =	simm.s32 @!p0 $0x3800  }
0x162: {  	[tilespmem:s28], [sflag:$0x1] =	stream.indirect_vreg.gather @!p0 [hbm4b:s7+s19], $0x80, v3, vm1, $0xb8;
	[tilespmem:$0x15000] =	vst v63  }
0x163: {  	s28 =	simm.s32 @!p0 $0x4000  }
0x164: {  	[tilespmem:s28], [sflag:$0x1] =	stream.indirect_vreg.gather @!p0 [hbm4b:s9+s19], $0x80, v3, vm1, $0xb8;
	[tilespmem:$0x15000] =	vst v63  }
0x165: {  	s28 =	simm.s32 @!p0 $0x4800  }
0x166: {  	[tilespmem:s28], [sflag:$0x1] =	stream.indirect_vreg.gather @!p0 [hbm4b:s11+s19], $0x80, v3, vm1, $0xb8;
	[tilespmem:$0x15000] =	vst v63  }
0x167: {  	v3 =	vld @!p0 [tilespmem:s1+$0x10];
	_ =	sdelay $0x4  }
0x168: {  	v7 =	vshll.u32 @!p0 v3, $0x3  }
0x169: {  	v3 =	vand.u32 @!p0 $0x7, v3;
	v7 =	vand.u32 @!p0 $0xFFFFFFC0, v7  }
0x16a: {  	v3 =	vor.u32 @!p0 v3, v7  }
0x16b: {  	v4 =	vperm.xlane @!p0 v3, v4;
	_ =	sdelay $0x1  }
0x16c: {  	v4 =	vadd.s32 @!p0 v6, v4;
	_ =	sdelay $0x3  }
0x16d: {  	s1 =	simm.s32 @!p0 $0x5000  }
0x16e: {  	[tilespmem:s1], [sflag:$0x1] =	stream.indirect_vreg.gather @!p0 [hbm4b:s4+s19], $0x80, v4, vm1, $0xb8;
	[tilespmem:$0x15000] =	vst v63  }
0x16f: {  	v3 =	vperm.xlane @!p0 v3, v5;
	s1 =	simm.s32 @!p0 $0x5800  }
0x170: {  	[tilespmem:s1], [sflag:$0x1] =	stream.indirect_vreg.gather @!p0 [hbm4b:s7+s19], $0x80, v4, vm1, $0xb8;
	[tilespmem:$0x15000] =	vst v63  }
0x171: {  	v3 =	vadd.s32 @!p0 v6, v3;
	s1 =	simm.s32 @!p0 $0x6000  }
0x172: {  	[tilespmem:s1], [sflag:$0x1] =	stream.indirect_vreg.gather @!p0 [hbm4b:s9+s19], $0x80, v4, vm1, $0xb8;
	[tilespmem:$0x15000] =	vst v63  }
0x173: {  	s1 =	simm.s32 @!p0 $0x6800  }
0x174: {  	[tilespmem:s1], [sflag:$0x1] =	stream.indirect_vreg.gather @!p0 [hbm4b:s11+s19], $0x80, v4, vm1, $0xb8;
	[tilespmem:$0x15000] =	vst v63  }
0x175: {  	s0 =	sshll.u32 @!p0 s0, $0x9;
	s1 =	simm.s32 @!p0 $0x7000  }
0x176: {  	[tilespmem:s1], [sflag:$0x1] =	stream.indirect_vreg.gather @!p0 [hbm4b:s4+s19], $0x80, v3, vm1, $0xb8;
	[tilespmem:$0x15000] =	vst v63  }
0x177: {  	s0 =	sadd.s32 @!p0 s8, s0;
	s1 =	simm.s32 @!p0 $0x7800  }
0x178: {  	[tilespmem:s1], [sflag:$0x1] =	stream.indirect_vreg.gather @!p0 [hbm4b:s7+s19], $0x80, v3, vm1, $0xb8;
	[tilespmem:$0x15000] =	vst v63  }
0x179: {  	p1 =	seq.s32 @!p0 s24, $0x0;
	s0 =	sand.u32 @!p0 $0x3FC00, s0;
	s1 =	simm.s32 @!p0 $0x8000  }
0x17a: {  	[tilespmem:s1], [sflag:$0x1] =	stream.indirect_vreg.gather @!p0 [hbm4b:s9+s19], $0x80, v3, vm1, $0xb8;
	[tilespmem:$0x15000] =	vst v63  }
0x17b: {  	p1 =	por p0, !p1;
	s0 =	sadd.s32 @!p0 s5, s0;
	s1 =	simm.s32 @!p0 $0x8800  }
0x17c: {  	[tilespmem:s1], [sflag:$0x1] =	stream.indirect_vreg.gather @!p0 [hbm4b:s11+s19], $0x80, v3, vm1, $0xb8;
	[tilespmem:$0x15000] =	vst v63  }
0x17d: {  	s28 =	simm.s32 @!p0 $0x11000;
	s1 =	simm.s32 @!p0 $0x200;
	s19 =	simm.s32 @!p0 $0x400  }
0x17e: {  	[tilespmem:s28], [sflag:$0x3] =	stream.strided.gather @!p0 [hbm4b:s0+s1], $0x1000, s19, s1, $0x38;
	[tilespmem:$0x15000] =	vst v63  }
0x17f: {  	_ =	swait.ge @p1 [sflag:s23], $0x1000  }
0x180: {  	[sflag:s23] =	ssyncset.done @p1 $0x0  }
0x181: {  	[sflag:s23] =	ssyncadd.s32 @p1 $0xFFFFF000  }
0x182: {  	_ =	swait.ge [sflag:s20], $0x8000  }
0x183: {  	[sflag:s20] =	ssyncset.done $0x0  }
0x184: {  	s6 =	simm.s32 $0x0;
	[sflag:s20] =	ssyncadd.s32 $0xFFFF8000  }
0x185: {  	s1 =	simm.s32 $0x0;
	s19 =	simm.s32 $0x0;
	_ =	swait.ge [sflag:s21], $0x1000  }
0x186: {  	s0 =	sand.u32 $0x70, s1;
	s1 =	sand.u32 $0xFFFFFE00, s19;
	[sflag:s21] =	ssyncset.done $0x0  }
0x187: {  	s19 =	sand.u32 $0x3FFFFC00, s6;
	s28 =	sor.u32 s0, s1;
	[sflag:s21] =	ssyncadd.s32 $0xFFFFF000  }
0x188: {  	s0 =	sor.u32 s0, s19;
	v3 =	vld [tilespmem:s28+$0x12000]  }
0x189: {  	v4 =	vld [tilespmem:s0+$0x9000];
	_ =	sdelay $0x1  }
0x18a: {  	v5 =	vld [tilespmem:s0+$0x9080];
	_ =	sdelay $0x1  }
0x18b: {  	v56 =	vld [tilespmem:s0+$0x9100]  }
0x18c: {  	v3 =	vadd.f32 v4, v3  }
0x18d: {  	v4 =	vld [tilespmem:s0+$0x9180]  }
0x18e: {  	v3 =	vadd.f32 v5, v3  }
0x18f: {  	v5 =	vld [tilespmem:s0+$0x9200]  }
0x190: {  	v3 =	vadd.f32 v56, v3  }
0x191: {  	v57 =	vld [tilespmem:s0+$0x9280]  }
0x192: {  	v3 =	vadd.f32 v4, v3  }
0x193: {  	v4 =	vld [tilespmem:s0+$0x9300]  }
0x194: {  	v3 =	vadd.f32 v5, v3  }
0x195: {  	v5 =	vld [tilespmem:s0+$0x9380]  }
0x196: {  	v3 =	vadd.f32 v57, v3;
	_ =	sdelay $0x1  }
0x197: {  	v3 =	vadd.f32 v4, v3;
	_ =	sdelay $0x1  }
0x198: {  	v3 =	vadd.f32 v5, v3;
	_ =	sdelay $0x1  }
0x199: {  	[tilespmem:s28+$0x14000] =	vst v3;
	v3 =	vld [tilespmem:s28+$0x12080]  }
0x19a: {  	v4 =	vld [tilespmem:s0+$0xB000];
	_ =	sdelay $0x1  }
0x19b: {  	v5 =	vld [tilespmem:s0+$0xB080];
	_ =	sdelay $0x1  }
0x19c: {  	v58 =	vld [tilespmem:s0+$0xB100]  }
0x19d: {  	v3 =	vadd.f32 v4, v3  }
0x19e: {  	v4 =	vld [tilespmem:s0+$0xB180]  }
0x19f: {  	v3 =	vadd.f32 v5, v3  }
0x1a0: {  	v5 =	vld [tilespmem:s0+$0xB200]  }
0x1a1: {  	v3 =	vadd.f32 v58, v3  }
0x1a2: {  	v59 =	vld [tilespmem:s0+$0xB280]  }
0x1a3: {  	v3 =	vadd.f32 v4, v3  }
0x1a4: {  	v4 =	vld [tilespmem:s0+$0xB300]  }
0x1a5: {  	v3 =	vadd.f32 v5, v3  }
0x1a6: {  	v5 =	vld [tilespmem:s0+$0xB380]  }
0x1a7: {  	v3 =	vadd.f32 v59, v3;
	_ =	sdelay $0x1  }
0x1a8: {  	v3 =	vadd.f32 v4, v3;
	_ =	sdelay $0x1  }
0x1a9: {  	v3 =	vadd.f32 v5, v3;
	_ =	sdelay $0x1  }
0x1aa: {  	[tilespmem:s28+$0x14080] =	vst v3;
	v3 =	vld [tilespmem:s28+$0x12100]  }
0x1ab: {  	v4 =	vld [tilespmem:s0+$0xD000];
	_ =	sdelay $0x1  }
0x1ac: {  	v5 =	vld [tilespmem:s0+$0xD080];
	_ =	sdelay $0x1  }
0x1ad: {  	v60 =	vld [tilespmem:s0+$0xD100]  }
0x1ae: {  	v3 =	vadd.f32 v4, v3  }
0x1af: {  	v4 =	vld [tilespmem:s0+$0xD180]  }
0x1b0: {  	v3 =	vadd.f32 v5, v3  }
0x1b1: {  	v5 =	vld [tilespmem:s0+$0xD200]  }
0x1b2: {  	v3 =	vadd.f32 v60, v3  }
0x1b3: {  	v61 =	vld [tilespmem:s0+$0xD280]  }
0x1b4: {  	v3 =	vadd.f32 v4, v3  }
0x1b5: {  	v4 =	vld [tilespmem:s0+$0xD300]  }
0x1b6: {  	v3 =	vadd.f32 v5, v3  }
0x1b7: {  	v5 =	vld [tilespmem:s0+$0xD380]  }
0x1b8: {  	v3 =	vadd.f32 v61, v3;
	_ =	sdelay $0x1  }
0x1b9: {  	v3 =	vadd.f32 v4, v3;
	_ =	sdelay $0x1  }
0x1ba: {  	v3 =	vadd.f32 v5, v3;
	_ =	sdelay $0x1  }
0x1bb: {  	[tilespmem:s28+$0x14100] =	vst v3;
	v3 =	vld [tilespmem:s28+$0x12180]  }
0x1bc: {  	v4 =	vld [tilespmem:s0+$0xF000];
	_ =	sdelay $0x1  }
0x1bd: {  	v5 =	vld [tilespmem:s0+$0xF080];
	_ =	sdelay $0x1  }
0x1be: {  	v62 =	vld [tilespmem:s0+$0xF100]  }
0x1bf: {  	v3 =	vadd.f32 v4, v3  }
0x1c0: {  	v4 =	vld [tilespmem:s0+$0xF180]  }
0x1c1: {  	v3 =	vadd.f32 v5, v3  }
0x1c2: {  	v5 =	vld [tilespmem:s0+$0xF200]  }
0x1c3: {  	v3 =	vadd.f32 v62, v3  }
0x1c4: {  	v63 =	vld [tilespmem:s0+$0xF280]  }
0x1c5: {  	v3 =	vadd.f32 v4, v3  }
0x1c6: {  	v4 =	vld [tilespmem:s0+$0xF300]  }
0x1c7: {  	v3 =	vadd.f32 v5, v3  }
0x1c8: {  	v5 =	vld [tilespmem:s0+$0xF380]  }
0x1c9: {  	v3 =	vadd.f32 v63, v3;
	_ =	sdelay $0x1  }
0x1ca: {  	s30 =	simm.s32 $0x2;
	v3 =	vadd.f32 v4, v3  }
0x1cb: {  	s29 =	simm.s32 $0x10;
	s6 =	simm.s32 $0x40;
	s19 =	simm.s32 $0x80  }
0x1cc: {  	s31 =	sand.u32 $0x70, s29;
	s19 =	sand.u32 $0x3FFFFC00, s19;
	s0 =	sand.u32 $0xFFFFFE00, s6;
	v3 =	vadd.f32 v5, v3  }
.LBB2_5:
0x1cd: {  	s6 =	sor.u32 s31, s0  }
0x1ce: {  	s0 =	sor.u32 s31, s19;
	s31 =	smov.u32 s30;
	s1 =	sadd.s32 $0x1, s30  }
0x1cf: {  	p1 =	sne.s32 s30, $0x3F;
	v4 =	vld [tilespmem:s6+$0x12000];
	[tilespmem:s28+$0x14180] =	vst v3;
	s28 =	smov.u32 s6  }
0x1d0: {  	v3 =	vld [tilespmem:s0+$0x9000]  }
0x1d1: {  	v5 =	vld [tilespmem:s0+$0x9080];
	_ =	sdelay $0x1  }
0x1d2: {  	v6 =	vld [tilespmem:s0+$0x9100];
	_ =	sdelay $0x1  }
0x1d3: {  	v3 =	vadd.f32 v3, v4;
	v4 =	vld [tilespmem:s0+$0x9180];
	_ =	sdelay $0x1  }
0x1d4: {  	v3 =	vadd.f32 v5, v3;
	v5 =	vld [tilespmem:s0+$0x9200];
	_ =	sdelay $0x1  }
0x1d5: {  	v3 =	vadd.f32 v6, v3;
	v6 =	vld [tilespmem:s0+$0x9280];
	_ =	sdelay $0x1  }
0x1d6: {  	v3 =	vadd.f32 v4, v3;
	v4 =	vld [tilespmem:s0+$0x9300];
	_ =	sdelay $0x1  }
0x1d7: {  	v3 =	vadd.f32 v5, v3;
	v5 =	vld [tilespmem:s0+$0x9380];
	_ =	sdelay $0x1  }
0x1d8: {  	v3 =	vadd.f32 v6, v3;
	_ =	sdelay $0x1  }
0x1d9: {  	v3 =	vadd.f32 v4, v3;
	_ =	sdelay $0x1  }
0x1da: {  	v3 =	vadd.f32 v5, v3;
	_ =	sdelay $0x1  }
0x1db: {  	[tilespmem:s28+$0x14000] =	vst v3;
	v3 =	vld [tilespmem:s28+$0x12080]  }
0x1dc: {  	v4 =	vld [tilespmem:s0+$0xB000]  }
0x1dd: {  	v5 =	vld [tilespmem:s0+$0xB080];
	_ =	sdelay $0x1  }
0x1de: {  	v6 =	vld [tilespmem:s0+$0xB100];
	_ =	sdelay $0x1  }
0x1df: {  	v3 =	vadd.f32 v4, v3;
	v4 =	vld [tilespmem:s0+$0xB180];
	_ =	sdelay $0x1  }
0x1e0: {  	v3 =	vadd.f32 v5, v3;
	v5 =	vld [tilespmem:s0+$0xB200];
	_ =	sdelay $0x1  }
0x1e1: {  	v3 =	vadd.f32 v6, v3;
	v6 =	vld [tilespmem:s0+$0xB280];
	_ =	sdelay $0x1  }
0x1e2: {  	v3 =	vadd.f32 v4, v3;
	v4 =	vld [tilespmem:s0+$0xB300];
	_ =	sdelay $0x1  }
0x1e3: {  	v3 =	vadd.f32 v5, v3;
	v5 =	vld [tilespmem:s0+$0xB380];
	_ =	sdelay $0x1  }
0x1e4: {  	v3 =	vadd.f32 v6, v3;
	_ =	sdelay $0x1  }
0x1e5: {  	v3 =	vadd.f32 v4, v3;
	_ =	sdelay $0x1  }
0x1e6: {  	v3 =	vadd.f32 v5, v3;
	_ =	sdelay $0x1  }
0x1e7: {  	[tilespmem:s28+$0x14080] =	vst v3;
	v3 =	vld [tilespmem:s28+$0x12100]  }
0x1e8: {  	v4 =	vld [tilespmem:s0+$0xD000]  }
0x1e9: {  	v5 =	vld [tilespmem:s0+$0xD080];
	_ =	sdelay $0x1  }
0x1ea: {  	v6 =	vld [tilespmem:s0+$0xD100];
	_ =	sdelay $0x1  }
0x1eb: {  	v3 =	vadd.f32 v4, v3;
	v4 =	vld [tilespmem:s0+$0xD180];
	_ =	sdelay $0x1  }
0x1ec: {  	v3 =	vadd.f32 v5, v3;
	v5 =	vld [tilespmem:s0+$0xD200];
	_ =	sdelay $0x1  }
0x1ed: {  	v3 =	vadd.f32 v6, v3;
	v6 =	vld [tilespmem:s0+$0xD280];
	_ =	sdelay $0x1  }
0x1ee: {  	v3 =	vadd.f32 v4, v3;
	v4 =	vld [tilespmem:s0+$0xD300];
	_ =	sdelay $0x1  }
0x1ef: {  	v3 =	vadd.f32 v5, v3;
	v5 =	vld [tilespmem:s0+$0xD380];
	_ =	sdelay $0x1  }
0x1f0: {  	v3 =	vadd.f32 v6, v3;
	_ =	sdelay $0x1  }
0x1f1: {  	v3 =	vadd.f32 v4, v3;
	_ =	sdelay $0x1  }
0x1f2: {  	v3 =	vadd.f32 v5, v3;
	_ =	sdelay $0x1  }
0x1f3: {  	[tilespmem:s28+$0x14100] =	vst v3;
	v3 =	vld [tilespmem:s28+$0x12180]  }
0x1f4: {  	v4 =	vld [tilespmem:s0+$0xF000]  }
0x1f5: {  	v5 =	vld [tilespmem:s0+$0xF080]  }
0x1f6: {  	v6 =	vld [tilespmem:s0+$0xF100]  }
0x1f7: {  	v7 =	vld [tilespmem:s0+$0xF180]  }
0x1f8: {  	v8 =	vld [tilespmem:s0+$0xF200]  }
0x1f9: {  	v3 =	vadd.f32 v4, v3;
	v4 =	vld [tilespmem:s0+$0xF280]  }
0x1fa: {  	v9 =	vld [tilespmem:s0+$0xF300]  }
0x1fb: {  	v3 =	vadd.f32 v5, v3;
	v5 =	vld [tilespmem:s0+$0xF380];
	_ =	sdelay $0x1  }
0x1fc: {  	v3 =	vadd.f32 v6, v3;
	_ =	sdelay $0x1  }
0x1fd: {  	v3 =	vadd.f32 v7, v3;
	_ =	sdelay $0x1  }
0x1fe: {  	v3 =	vadd.f32 v8, v3;
	_ =	sdelay $0x1  }
.Ltmp3:
0x1ff: {  	v3 =	vadd.f32 v4, v3;
	(pc) =	sbr.rel @p1 .LBB2_5-.Ltmp3, $4  }
0x200: {  	_ = 	snop  }
0x201: {  	s29 =	sadd.s32 $0x10, s29;
	v3 =	vadd.f32 v9, v3  }
0x202: {  	s6 =	sshll.u32 s31, $0x7;
	s30 =	smov.u32 s1;
	s0 =	sshll.u32 s31, $0x6  }
0x203: {  	s19 =	sand.u32 $0x3FFFFC00, s6;
	s31 =	sand.u32 $0x70, s29;
	s0 =	sand.u32 $0xFFFFFE00, s0;
	v3 =	vadd.f32 v5, v3  }
0x204: {  	s0 =	sor.u32 s31, s0  }
0x205: {  	s29 =	sor.u32 s31, s19;
	v4 =	vld [tilespmem:s0+$0x12000];
	[tilespmem:s28+$0x14180] =	vst v3  }
0x206: {  	v3 =	vld [tilespmem:s29+$0x9000];
	_ =	sdelay $0x1  }
0x207: {  	v5 =	vld [tilespmem:s29+$0x9080];
	_ =	sdelay $0x1  }
0x208: {  	v6 =	vld [tilespmem:s29+$0x9100]  }
0x209: {  	v3 =	vadd.f32 v3, v4  }
0x20a: {  	v35 =	vld [tilespmem:s29+$0x9180]  }
0x20b: {  	v3 =	vadd.f32 v5, v3  }
0x20c: {  	v36 =	vld [tilespmem:s29+$0x9200]  }
0x20d: {  	v3 =	vadd.f32 v6, v3  }
0x20e: {  	v37 =	vld [tilespmem:s29+$0x9280]  }
0x20f: {  	v3 =	vadd.f32 v35, v3  }
0x210: {  	v38 =	vld [tilespmem:s29+$0x9300]  }
0x211: {  	v3 =	vadd.f32 v36, v3  }
0x212: {  	v39 =	vld [tilespmem:s29+$0x9380]  }
0x213: {  	v3 =	vadd.f32 v37, v3;
	_ =	sdelay $0x1  }
0x214: {  	v3 =	vadd.f32 v38, v3;
	_ =	sdelay $0x1  }
0x215: {  	v3 =	vadd.f32 v39, v3;
	_ =	sdelay $0x1  }
0x216: {  	[tilespmem:s0+$0x14000] =	vst v3;
	v3 =	vld [tilespmem:s0+$0x12080]  }
0x217: {  	v40 =	vld [tilespmem:s29+$0xB000];
	_ =	sdelay $0x1  }
0x218: {  	v41 =	vld [tilespmem:s29+$0xB080];
	_ =	sdelay $0x1  }
0x219: {  	v42 =	vld [tilespmem:s29+$0xB100]  }
0x21a: {  	v3 =	vadd.f32 v40, v3  }
0x21b: {  	v43 =	vld [tilespmem:s29+$0xB180]  }
0x21c: {  	v3 =	vadd.f32 v41, v3  }
0x21d: {  	v44 =	vld [tilespmem:s29+$0xB200]  }
0x21e: {  	v3 =	vadd.f32 v42, v3  }
0x21f: {  	v45 =	vld [tilespmem:s29+$0xB280]  }
0x220: {  	v3 =	vadd.f32 v43, v3  }
0x221: {  	v46 =	vld [tilespmem:s29+$0xB300]  }
0x222: {  	v3 =	vadd.f32 v44, v3  }
0x223: {  	v47 =	vld [tilespmem:s29+$0xB380]  }
0x224: {  	v3 =	vadd.f32 v45, v3;
	_ =	sdelay $0x1  }
0x225: {  	v3 =	vadd.f32 v46, v3;
	_ =	sdelay $0x1  }
0x226: {  	v3 =	vadd.f32 v47, v3;
	_ =	sdelay $0x1  }
0x227: {  	[tilespmem:s0+$0x14080] =	vst v3;
	v3 =	vld [tilespmem:s0+$0x12100]  }
0x228: {  	v48 =	vld [tilespmem:s29+$0xD000];
	_ =	sdelay $0x1  }
0x229: {  	v49 =	vld [tilespmem:s29+$0xD080];
	_ =	sdelay $0x1  }
0x22a: {  	v50 =	vld [tilespmem:s29+$0xD100]  }
0x22b: {  	v3 =	vadd.f32 v48, v3  }
0x22c: {  	v51 =	vld [tilespmem:s29+$0xD180]  }
0x22d: {  	v3 =	vadd.f32 v49, v3  }
0x22e: {  	v52 =	vld [tilespmem:s29+$0xD200]  }
0x22f: {  	v3 =	vadd.f32 v50, v3  }
0x230: {  	v53 =	vld [tilespmem:s29+$0xD280]  }
0x231: {  	v3 =	vadd.f32 v51, v3  }
0x232: {  	v54 =	vld [tilespmem:s29+$0xD300]  }
0x233: {  	v3 =	vadd.f32 v52, v3  }
0x234: {  	v55 =	vld [tilespmem:s29+$0xD380]  }
0x235: {  	v3 =	vadd.f32 v53, v3;
	_ =	sdelay $0x1  }
0x236: {  	v3 =	vadd.f32 v54, v3;
	_ =	sdelay $0x1  }
0x237: {  	v3 =	vadd.f32 v55, v3;
	_ =	sdelay $0x1  }
0x238: {  	[tilespmem:s0+$0x14100] =	vst v3;
	v3 =	vld [tilespmem:s0+$0x12180]  }
0x239: {  	v56 =	vld [tilespmem:s29+$0xF000];
	_ =	sdelay $0x1  }
0x23a: {  	v57 =	vld [tilespmem:s29+$0xF080];
	_ =	sdelay $0x1  }
0x23b: {  	v58 =	vld [tilespmem:s29+$0xF100]  }
0x23c: {  	v3 =	vadd.f32 v56, v3  }
0x23d: {  	v59 =	vld [tilespmem:s29+$0xF180]  }
0x23e: {  	v3 =	vadd.f32 v57, v3  }
0x23f: {  	v60 =	vld [tilespmem:s29+$0xF200]  }
0x240: {  	v3 =	vadd.f32 v58, v3  }
0x241: {  	v61 =	vld [tilespmem:s29+$0xF280]  }
0x242: {  	v3 =	vadd.f32 v59, v3  }
0x243: {  	v62 =	vld [tilespmem:s29+$0xF300]  }
0x244: {  	v3 =	vadd.f32 v60, v3  }
0x245: {  	v63 =	vld [tilespmem:s29+$0xF380]  }
0x246: {  	v3 =	vadd.f32 v61, v3;
	_ =	sdelay $0x1  }
0x247: {  	v3 =	vadd.f32 v62, v3  }
.Ltmp4:
0x248: {  	_ = 	snop;
	(pc) =	sbr.rel @p0 .LBB2_8-.Ltmp4, $3  }
0x249: {  	v3 =	vadd.f32 v63, v3;
	_ =	sdelay $0x1  }
0x24a: {  	s31 =	sadd.s32 s26, s14;
	[tilespmem:s0+$0x14180] =	vst v3  }
0x24b: {  	[hbm4b:s31+s17] =	stream.strided.scatter [tilespmem:s22], [sflag:$0x6], $0x1000, s18, s17, $0x38;
	[tilespmem:$0x15000] =	vst v63  }
0x24c: {  	s0 =	sadd.s32 $0x3, s25  }
0x24d: {  	s1 =	sshll.u32 s0, $0x5  }
0x24e: {  	s1 =	sand.u32 $0x3FFFFFE0, s1  }
0x24f: {  	v3 =	vld [tilespmem:s1+$0x0];
	_ =	sdelay $0x4  }
0x250: {  	v4 =	vshll.u32 v3, $0x3  }
0x251: {  	v3 =	vand.u32 $0x7, v3;
	v4 =	vand.u32 $0xFFFFFFC0, v4  }
0x252: {  	v3 =	vor.u32 v3, v4  }
0x253: {  	v4 =	vperm.xlane v3, v0;
	_ =	sdelay $0x1  }
0x254: {  	v4 =	vadd.s32 v1, v4;
	_ =	sdelay $0x3  }
0x255: {  	s6 =	simm.s32 $0x9000  }
0x256: {  	[tilespmem:s6], [sflag:$0x2] =	stream.indirect_vreg.gather [hbm4b:s4+s3], $0x80, v4, vm0, $0xb8;
	[tilespmem:$0x15000] =	vst v63  }
0x257: {  	s19 =	simm.s32 $0x9800;
	v3 =	vperm.xlane v3, v2  }
0x258: {  	[tilespmem:s19], [sflag:$0x2] =	stream.indirect_vreg.gather [hbm4b:s7+s3], $0x80, v4, vm0, $0xb8;
	[tilespmem:$0x15000] =	vst v63  }
0x259: {  	s25 =	simm.s32 $0xA000;
	v3 =	vadd.s32 v1, v3  }
0x25a: {  	[tilespmem:s25], [sflag:$0x2] =	stream.indirect_vreg.gather [hbm4b:s9+s3], $0x80, v4, vm0, $0xb8;
	[tilespmem:$0x15000] =	vst v63  }
0x25b: {  	s26 =	simm.s32 $0xA800  }
0x25c: {  	[tilespmem:s26], [sflag:$0x2] =	stream.indirect_vreg.gather [hbm4b:s11+s3], $0x80, v4, vm0, $0xb8;
	[tilespmem:$0x15000] =	vst v63  }
0x25d: {  	s28 =	simm.s32 $0xB000  }
0x25e: {  	[tilespmem:s28], [sflag:$0x2] =	stream.indirect_vreg.gather [hbm4b:s4+s3], $0x80, v3, vm0, $0xb8;
	[tilespmem:$0x15000] =	vst v63  }
0x25f: {  	s29 =	simm.s32 $0xB800  }
0x260: {  	[tilespmem:s29], [sflag:$0x2] =	stream.indirect_vreg.gather [hbm4b:s7+s3], $0x80, v3, vm0, $0xb8;
	[tilespmem:$0x15000] =	vst v63  }
0x261: {  	s30 =	simm.s32 $0xC000  }
0x262: {  	[tilespmem:s30], [sflag:$0x2] =	stream.indirect_vreg.gather [hbm4b:s9+s3], $0x80, v3, vm0, $0xb8;
	[tilespmem:$0x15000] =	vst v63  }
0x263: {  	s31 =	simm.s32 $0xC800  }
0x264: {  	[tilespmem:s31], [sflag:$0x2] =	stream.indirect_vreg.gather [hbm4b:s11+s3], $0x80, v3, vm0, $0xb8;
	[tilespmem:$0x15000] =	vst v63  }
0x265: {  	v3 =	vld [tilespmem:s1+$0x10];
	_ =	sdelay $0x4  }
0x266: {  	v63 =	vshll.u32 v3, $0x3  }
0x267: {  	v3 =	vand.u32 $0x7, v3;
	v4 =	vand.u32 $0xFFFFFFC0, v63  }
0x268: {  	v3 =	vor.u32 v3, v4  }
0x269: {  	v4 =	vperm.xlane v3, v0;
	_ =	sdelay $0x1  }
0x26a: {  	v4 =	vadd.s32 v1, v4;
	_ =	sdelay $0x3  }
0x26b: {  	s19 =	simm.s32 $0xD000  }
0x26c: {  	[tilespmem:s19], [sflag:$0x2] =	stream.indirect_vreg.gather [hbm4b:s4+s3], $0x80, v4, vm0, $0xb8;
	[tilespmem:$0x15000] =	vst v63  }
0x26d: {  	s25 =	simm.s32 $0xD800;
	v3 =	vperm.xlane v3, v2  }
0x26e: {  	[tilespmem:s25], [sflag:$0x2] =	stream.indirect_vreg.gather [hbm4b:s7+s3], $0x80, v4, vm0, $0xb8;
	[tilespmem:$0x15000] =	vst v63  }
0x26f: {  	s26 =	simm.s32 $0xE000;
	v3 =	vadd.s32 v1, v3  }
0x270: {  	[tilespmem:s26], [sflag:$0x2] =	stream.indirect_vreg.gather [hbm4b:s9+s3], $0x80, v4, vm0, $0xb8;
	[tilespmem:$0x15000] =	vst v63  }
0x271: {  	s28 =	simm.s32 $0xE800  }
0x272: {  	[tilespmem:s28], [sflag:$0x2] =	stream.indirect_vreg.gather [hbm4b:s11+s3], $0x80, v4, vm0, $0xb8;
	[tilespmem:$0x15000] =	vst v63  }
0x273: {  	s29 =	simm.s32 $0xF000  }
0x274: {  	[tilespmem:s29], [sflag:$0x2] =	stream.indirect_vreg.gather [hbm4b:s4+s3], $0x80, v3, vm0, $0xb8;
	[tilespmem:$0x15000] =	vst v63  }
0x275: {  	s30 =	simm.s32 $0xF800  }
0x276: {  	[tilespmem:s30], [sflag:$0x2] =	stream.indirect_vreg.gather [hbm4b:s7+s3], $0x80, v3, vm0, $0xb8;
	[tilespmem:$0x15000] =	vst v63  }
0x277: {  	s0 =	sshll.u32 s0, $0x9;
	s31 =	simm.s32 $0x10000  }
0x278: {  	[tilespmem:s31], [sflag:$0x2] =	stream.indirect_vreg.gather [hbm4b:s9+s3], $0x80, v3, vm0, $0xb8;
	[tilespmem:$0x15000] =	vst v63  }
.Ltmp5:
0x279: {  	s0 =	sadd.s32 s8, s0;
	(pc) =	sbr.rel .LBB2_2-.Ltmp5, $4  }
0x27a: {  	s0 =	sand.u32 $0x3FC00, s0  }
0x27b: {  	[tilespmem:s12], [sflag:$0x2] =	stream.indirect_vreg.gather [hbm4b:s11+s3], $0x80, v3, vm0, $0xb8;
	[tilespmem:$0x15000] =	vst v63  }
0x27c: {  	s24 =	sadd.s32 $0x1, s24;
	s0 =	sadd.s32 s0, s10  }
0x27d: {  	[tilespmem:s13], [sflag:$0x4] =	stream.strided.gather [hbm4b:s0+s17], $0x1000, s18, s17, $0x38;
	[tilespmem:$0x15000] =	vst v63  }
.LBB2_9:
0x27e: {  	_ =	sfence.sel $0x180000  }
0x27f: {  	[bflag:$0x0] =	sbarrier.arrive $0xFFFF  }
0x280: {  	_ =	strace $0x90000047  }
0x281: {  	s0 =	stileid.u32;
	[bflag:$0x2] =	sbarrier.arrive $0xFFFF  }
0x282: {  	p0 =	sne.s32 s0, $0x0;
	s0 =	rddreg [dreg:$0x2]  }
0x283: {  	s0 =	sadd.s32 @!p0 $0x100000, s0  }
0x284: {  	[sflag:s0] =	ssyncadd.tile.s32 @!p0 $0x1;
	_ =	shalt  }
.Lfunc_end2:
_tile_overlayer_lowered:
.L_overlay_start_2:
0x285: {  	(tag) =	ssettag $0x2  }
0x286: {  	s0 =	rddreg [dreg:$0x0];
	s2 =	stileid.u32  }
0x287: {  	s1 =	rddreg [dreg:$0x1];
	p0 =	sne.s32 s2, $0x0  }
0x288: {  	s3 =	rddreg [dreg:$0x2];
	[bflag:$0x3] =	sbarrier.arrive $0xFFFF;
	s2 =	simm.s32 @!p0 $0x1C07  }
0x289: {  	[timem:s3], [sflag:s2] =	dma.local @!p0 [hbm:s0], s1  }
0x28a: {  	s0 =	simm.s32 @!p0 $0x7  }
0x28b: {  	_ =	swait.ge @!p0 [sflag:s0], s1  }
0x28c: {  	s1 =	ssub.s32 @!p0 $0x0, s1;
	[sflag:s0] =	ssyncset.done @!p0 $0x0  }
0x28d: {  	[sflag:s0] =	ssyncadd.s32 @!p0 s1  }
0x28e: {  	[bflag:$0x3] =	sbarrier.arrive $0xFFFF  }
0x28f: {  	_ =	shalt  }

</sc_bundles>
